<compile_context>
chip_gen: v7x
topology: tpu7x:2x2x1
jax: 0.10.2.dev20260603
libtpu: 0.0.44.dev20260713+nightly
codegen_flags: <defaults>
</compile_context>

<pallas_src>
import functools

import jax
import jax.numpy as jnp
from jax import lax
from jax.experimental import pallas as pl
from jax.experimental.pallas import tpu as pltpu
from jax.experimental.pallas import tpu_sc as plsc

NTOK = 4096
S = 50
D = 128
NC, NS = 2, 16
NW = NC * NS
TOK_PER_W = NTOK // NW
ROWS_PER_W = TOK_PER_W * S
TCHUNK = 4
CR = TCHUNK * S
G = 40
NG = CR // G
NCHUNK = TOK_PER_W // TCHUNK
NBUF = 4
NGROUP = NCHUNK // NBUF

_mesh = plsc.VectorSubcoreMesh(core_axis_name="c", subcore_axis_name="s")


@functools.partial(
    pl.kernel,
    mesh=_mesh,
    out_type=jax.ShapeDtypeStruct((NTOK, S, D), jnp.float32),
    scratch_types=[
        pltpu.VMEM((ROWS_PER_W,), jnp.int32),
        pltpu.VMEM((NBUF * CR, D), jnp.float32),
    ]
    + [pltpu.SemaphoreType.DMA] * (2 * NBUF),
)
def _emb_lookup(idx_hbm, table_hbm, out_hbm, idx_v, rows_v, *sems):
    gsems, wsems = sems[:NBUF], sems[NBUF:]
    wid = lax.axis_index("s") * NC + lax.axis_index("c")
    row_base = wid * ROWS_PER_W
    tok_base = wid * TOK_PER_W

    pltpu.sync_copy(idx_hbm.at[pl.ds(row_base, ROWS_PER_W)], idx_v)

    def start_chunk(c, b):
        for j in range(NG):
            off = j * G
            pltpu.async_copy(
                table_hbm.at[idx_v.at[pl.ds(c * CR + off, G)]],
                rows_v.at[pl.ds(b * CR + off, G)],
                gsems[b],
            )

    def chunk_wait(sem, b):
        pltpu.make_async_copy(
            table_hbm.at[pl.ds(0, CR)], rows_v.at[pl.ds(b * CR, CR)], sem
        ).wait()

    for b in range(NBUF):
        start_chunk(b, b)

    def group(g, carry):
        for b in range(NBUF):
            c = g * NBUF + b
            chunk_wait(gsems[b], b)
            for t in range(TCHUNK):
                pltpu.async_copy(
                    rows_v.at[pl.ds(b * CR + t * S, S)],
                    out_hbm.at[tok_base + c * TCHUNK + t],
                    wsems[b],
                )
            j = c + NBUF - 1
            b2 = (b + NBUF - 1) % NBUF

            @pl.when(jnp.logical_and(j >= NBUF, j < NCHUNK))
            def _():
                chunk_wait(wsems[b2], b2)
                start_chunk(j, b2)

        return carry

    lax.fori_loop(0, NGROUP, group, 0)

    for b in range(NBUF):
        chunk_wait(wsems[b], b)


def kernel(token_ids, embedding):
    flat = token_ids.reshape(-1).astype(jnp.int32)
    return _emb_lookup(flat, embedding)

# --- scband reference (transcript-rebuilt; emitter-appended) ---
"""Pipeline reference for scband-embedding-75144747810957 (READ-ONLY COPY).

The authoritative reference and input builder live on the scoring server;
editing this copy changes nothing except your own understanding.
"""

import jax, jax.numpy as jnp
import numpy as np

NUM_EMBEDDINGS = 100000
EMBEDDING_DIM = 128

def setup_inputs(seed: int = 0) -> dict:
    key = jax.random.key(seed)
    k_idx, k_emb = jax.random.split(key)
    token_ids = jax.random.randint(k_idx, (4096, 50), 0, NUM_EMBEDDINGS, dtype=jnp.int64 if jax.config.jax_enable_x64 else jnp.int32)
    # truncated normal init, mean=0, std=1, a=-3, b=3 (matches torch trunc_normal_)
    embedding = jax.random.truncated_normal(k_emb, -3.0, 3.0, (NUM_EMBEDDINGS, EMBEDDING_DIM), dtype=jnp.float32)
    return {"token_ids": token_ids, "embedding": embedding}

def reference(token_ids, embedding):
    # Faithful translation of: return self.embedding[token_ids]
    return jnp.take(embedding, token_ids, axis=0)

if __name__ == "__main__":
    import jax
    _d = setup_inputs()
    print(jax.jit(kernel)(*tuple(_d.values())))

</pallas_src>

<mosaic_0001>
#map = affine_map<(d0, d1) -> (0)>
#map1 = affine_map<(d0, d1) -> (0, 0)>
#map2 = affine_map<(d0, d1) -> (0, 0, 0)>
module attributes {stable_mosaic.version = 14 : i64} {
  func.func @_emb_lookup(%arg0: i32, %arg1: i32, %arg2: memref<204800xi32, #tpu.memory_space<hbm>>, %arg3: memref<100000x128xf32, #tpu.memory_space<hbm>>, %arg4: memref<4096x50x128xf32, #tpu.memory_space<hbm>>, %arg5: memref<6400xi32, #tpu.memory_space<vmem>>, %arg6: memref<800x128xf32, #tpu.memory_space<vmem>>, %arg7: memref<!tpu.dma_semaphore, #tpu.memory_space<semaphore_mem>>, %arg8: memref<!tpu.dma_semaphore, #tpu.memory_space<semaphore_mem>>, %arg9: memref<!tpu.dma_semaphore, #tpu.memory_space<semaphore_mem>>, %arg10: memref<!tpu.dma_semaphore, #tpu.memory_space<semaphore_mem>>, %arg11: memref<!tpu.dma_semaphore, #tpu.memory_space<semaphore_mem>>, %arg12: memref<!tpu.dma_semaphore, #tpu.memory_space<semaphore_mem>>, %arg13: memref<!tpu.dma_semaphore, #tpu.memory_space<semaphore_mem>>, %arg14: memref<!tpu.dma_semaphore, #tpu.memory_space<semaphore_mem>>) attributes {dimension_semantics = [#tpu.dimension_semantics<core_parallel>, #tpu.dimension_semantics<subcore_parallel>], iteration_bounds = array<i64: 2, 16>, scalar_prefetch = 0 : i64, scratch_operands = 10 : i64, tpu.core_type = #tpu.core_type<sc_vector_subcore>, window_params = [{transform_indices = #map}, {transform_indices = #map1}, {transform_indices = #map2}]} {
    %mul3A = arith.constant 2 : i32
    %mul3A_0 = arith.muli %arg1, %mul3A : i32
    %add3A = arith.addi %mul3A_0, %arg0 : i32
    %mul3A_1 = arith.constant 6400 : i32
    %mul3A_2 = arith.muli %add3A, %mul3A_1 : i32
    %mul3A_3 = arith.constant 128 : i32
    %mul3A_4 = arith.muli %add3A, %mul3A_3 : i32
    "tpu.region"() ({
      %run_scoped3A = tpu.sem_alloc : memref<!tpu.dma_semaphore, #tpu.memory_space<semaphore_mem>>
      %dma_start3A_216 = tpu.memref_slice %arg2[%mul3A_2] : memref<204800xi32, #tpu.memory_space<hbm>> -> memref<6400xi32, #tpu.memory_space<hbm>>
      %dma_start3A_217 = tpu.memref_slice %arg2[%mul3A_2] : memref<204800xi32, #tpu.memory_space<hbm>> -> memref<6400xi32, #tpu.memory_space<hbm>>
      tpu.enqueue_dma source(%dma_start3A_217 : memref<6400xi32, #tpu.memory_space<hbm>>) target(%arg5 : memref<6400xi32, #tpu.memory_space<vmem>>) target_semaphore(%run_scoped3A : memref<!tpu.dma_semaphore, #tpu.memory_space<semaphore_mem>>)
      %dma_wait3A_218 = tpu.memref_slice %arg2[%mul3A_2] : memref<204800xi32, #tpu.memory_space<hbm>> -> memref<6400xi32, #tpu.memory_space<hbm>>
      %dma_wait3A_219 = tpu.memref_slice %arg2[%mul3A_2] : memref<204800xi32, #tpu.memory_space<hbm>> -> memref<6400xi32, #tpu.memory_space<hbm>>
      tpu.wait_dma2 semaphore(%run_scoped3A : memref<!tpu.dma_semaphore, #tpu.memory_space<semaphore_mem>>) src(%dma_wait3A_219 : memref<6400xi32, #tpu.memory_space<hbm>>) dst(%arg5 : memref<6400xi32, #tpu.memory_space<vmem>>)
      tpu.yield
    }) : () -> ()
    %dma_start3A = arith.constant 0 : i32
    %dma_start3A_5 = arith.constant 0 : i32
    %dma_start3A_6 = tpu.memref_slice %arg6[%dma_start3A, %dma_start3A_5] : memref<800x128xf32, #tpu.memory_space<vmem>> -> memref<40x128xf32, #tpu.memory_space<vmem>>
    %dma_start3A_7 = arith.constant 0 : i32
    %dma_start3A_8 = tpu.memref_slice %arg5[%dma_start3A_7] : memref<6400xi32, #tpu.memory_space<vmem>> -> memref<40xi32, #tpu.memory_space<vmem>>
    %dma_start3A_9 = arith.constant 0 : i32
    %dma_start3A_10 = arith.constant 0 : i32
    %dma_start3A_11 = tpu.memref_slice %arg3[%dma_start3A_9, %dma_start3A_10] : memref<100000x128xf32, #tpu.memory_space<hbm>> -> memref<100000x128xf32, #tpu.memory_space<hbm>>
    tpu.enqueue_indirect_dma source(%dma_start3A_11 : memref<100000x128xf32, #tpu.memory_space<hbm>>) target(%dma_start3A_6 : memref<40x128xf32, #tpu.memory_space<vmem>>) offsets(%dma_start3A_8 : memref<40xi32, #tpu.memory_space<vmem>>) semaphore(%arg7 : memref<!tpu.dma_semaphore, #tpu.memory_space<semaphore_mem>>)
    %dma_start3A_12 = arith.constant 40 : i32
    %dma_start3A_13 = arith.constant 0 : i32
    %dma_start3A_14 = tpu.memref_slice %arg6[%dma_start3A_12, %dma_start3A_13] : memref<800x128xf32, #tpu.memory_space<vmem>> -> memref<40x128xf32, #tpu.memory_space<vmem>>
    %dma_start3A_15 = arith.constant 40 : i32
    %dma_start3A_16 = tpu.memref_slice %arg5[%dma_start3A_15] : memref<6400xi32, #tpu.memory_space<vmem>> -> memref<40xi32, #tpu.memory_space<vmem>>
    %dma_start3A_17 = arith.constant 0 : i32
    %dma_start3A_18 = arith.constant 0 : i32
    %dma_start3A_19 = tpu.memref_slice %arg3[%dma_start3A_17, %dma_start3A_18] : memref<100000x128xf32, #tpu.memory_space<hbm>> -> memref<100000x128xf32, #tpu.memory_space<hbm>>
    tpu.enqueue_indirect_dma source(%dma_start3A_19 : memref<100000x128xf32, #tpu.memory_space<hbm>>) target(%dma_start3A_14 : memref<40x128xf32, #tpu.memory_space<vmem>>) offsets(%dma_start3A_16 : memref<40xi32, #tpu.memory_space<vmem>>) semaphore(%arg7 : memref<!tpu.dma_semaphore, #tpu.memory_space<semaphore_mem>>)
    %dma_start3A_20 = arith.constant 80 : i32
    %dma_start3A_21 = arith.constant 0 : i32
    %dma_start3A_22 = tpu.memref_slice %arg6[%dma_start3A_20, %dma_start3A_21] : memref<800x128xf32, #tpu.memory_space<vmem>> -> memref<40x128xf32, #tpu.memory_space<vmem>>
    %dma_start3A_23 = arith.constant 80 : i32
    %dma_start3A_24 = tpu.memref_slice %arg5[%dma_start3A_23] : memref<6400xi32, #tpu.memory_space<vmem>> -> memref<40xi32, #tpu.memory_space<vmem>>
    %dma_start3A_25 = arith.constant 0 : i32
    %dma_start3A_26 = arith.constant 0 : i32
    %dma_start3A_27 = tpu.memref_slice %arg3[%dma_start3A_25, %dma_start3A_26] : memref<100000x128xf32, #tpu.memory_space<hbm>> -> memref<100000x128xf32, #tpu.memory_space<hbm>>
    tpu.enqueue_indirect_dma source(%dma_start3A_27 : memref<100000x128xf32, #tpu.memory_space<hbm>>) target(%dma_start3A_22 : memref<40x128xf32, #tpu.memory_space<vmem>>) offsets(%dma_start3A_24 : memref<40xi32, #tpu.memory_space<vmem>>) semaphore(%arg7 : memref<!tpu.dma_semaphore, #tpu.memory_space<semaphore_mem>>)
    %dma_start3A_28 = arith.constant 120 : i32
    %dma_start3A_29 = arith.constant 0 : i32
    %dma_start3A_30 = tpu.memref_slice %arg6[%dma_start3A_28, %dma_start3A_29] : memref<800x128xf32, #tpu.memory_space<vmem>> -> memref<40x128xf32, #tpu.memory_space<vmem>>
    %dma_start3A_31 = arith.constant 120 : i32
    %dma_start3A_32 = tpu.memref_slice %arg5[%dma_start3A_31] : memref<6400xi32, #tpu.memory_space<vmem>> -> memref<40xi32, #tpu.memory_space<vmem>>
    %dma_start3A_33 = arith.constant 0 : i32
    %dma_start3A_34 = arith.constant 0 : i32
    %dma_start3A_35 = tpu.memref_slice %arg3[%dma_start3A_33, %dma_start3A_34] : memref<100000x128xf32, #tpu.memory_space<hbm>> -> memref<100000x128xf32, #tpu.memory_space<hbm>>
    tpu.enqueue_indirect_dma source(%dma_start3A_35 : memref<100000x128xf32, #tpu.memory_space<hbm>>) target(%dma_start3A_30 : memref<40x128xf32, #tpu.memory_space<vmem>>) offsets(%dma_start3A_32 : memref<40xi32, #tpu.memory_space<vmem>>) semaphore(%arg7 : memref<!tpu.dma_semaphore, #tpu.memory_space<semaphore_mem>>)
    %dma_start3A_36 = arith.constant 160 : i32
    %dma_start3A_37 = arith.constant 0 : i32
    %dma_start3A_38 = tpu.memref_slice %arg6[%dma_start3A_36, %dma_start3A_37] : memref<800x128xf32, #tpu.memory_space<vmem>> -> memref<40x128xf32, #tpu.memory_space<vmem>>
    %dma_start3A_39 = arith.constant 160 : i32
    %dma_start3A_40 = tpu.memref_slice %arg5[%dma_start3A_39] : memref<6400xi32, #tpu.memory_space<vmem>> -> memref<40xi32, #tpu.memory_space<vmem>>
    %dma_start3A_41 = arith.constant 0 : i32
    %dma_start3A_42 = arith.constant 0 : i32
    %dma_start3A_43 = tpu.memref_slice %arg3[%dma_start3A_41, %dma_start3A_42] : memref<100000x128xf32, #tpu.memory_space<hbm>> -> memref<100000x128xf32, #tpu.memory_space<hbm>>
    tpu.enqueue_indirect_dma source(%dma_start3A_43 : memref<100000x128xf32, #tpu.memory_space<hbm>>) target(%dma_start3A_38 : memref<40x128xf32, #tpu.memory_space<vmem>>) offsets(%dma_start3A_40 : memref<40xi32, #tpu.memory_space<vmem>>) semaphore(%arg7 : memref<!tpu.dma_semaphore, #tpu.memory_space<semaphore_mem>>)
    %dma_start3A_44 = arith.constant 200 : i32
    %dma_start3A_45 = arith.constant 0 : i32
    %dma_start3A_46 = tpu.memref_slice %arg6[%dma_start3A_44, %dma_start3A_45] : memref<800x128xf32, #tpu.memory_space<vmem>> -> memref<40x128xf32, #tpu.memory_space<vmem>>
    %dma_start3A_47 = arith.constant 200 : i32
    %dma_start3A_48 = tpu.memref_slice %arg5[%dma_start3A_47] : memref<6400xi32, #tpu.memory_space<vmem>> -> memref<40xi32, #tpu.memory_space<vmem>>
    %dma_start3A_49 = arith.constant 0 : i32
    %dma_start3A_50 = arith.constant 0 : i32
    %dma_start3A_51 = tpu.memref_slice %arg3[%dma_start3A_49, %dma_start3A_50] : memref<100000x128xf32, #tpu.memory_space<hbm>> -> memref<100000x128xf32, #tpu.memory_space<hbm>>
    tpu.enqueue_indirect_dma source(%dma_start3A_51 : memref<100000x128xf32, #tpu.memory_space<hbm>>) target(%dma_start3A_46 : memref<40x128xf32, #tpu.memory_space<vmem>>) offsets(%dma_start3A_48 : memref<40xi32, #tpu.memory_space<vmem>>) semaphore(%arg8 : memref<!tpu.dma_semaphore, #tpu.memory_space<semaphore_mem>>)
    %dma_start3A_52 = arith.constant 240 : i32
    %dma_start3A_53 = arith.constant 0 : i32
    %dma_start3A_54 = tpu.memref_slice %arg6[%dma_start3A_52, %dma_start3A_53] : memref<800x128xf32, #tpu.memory_space<vmem>> -> memref<40x128xf32, #tpu.memory_space<vmem>>
    %dma_start3A_55 = arith.constant 240 : i32
    %dma_start3A_56 = tpu.memref_slice %arg5[%dma_start3A_55] : memref<6400xi32, #tpu.memory_space<vmem>> -> memref<40xi32, #tpu.memory_space<vmem>>
    %dma_start3A_57 = arith.constant 0 : i32
    %dma_start3A_58 = arith.constant 0 : i32
    %dma_start3A_59 = tpu.memref_slice %arg3[%dma_start3A_57, %dma_start3A_58] : memref<100000x128xf32, #tpu.memory_space<hbm>> -> memref<100000x128xf32, #tpu.memory_space<hbm>>
    tpu.enqueue_indirect_dma source(%dma_start3A_59 : memref<100000x128xf32, #tpu.memory_space<hbm>>) target(%dma_start3A_54 : memref<40x128xf32, #tpu.memory_space<vmem>>) offsets(%dma_start3A_56 : memref<40xi32, #tpu.memory_space<vmem>>) semaphore(%arg8 : memref<!tpu.dma_semaphore, #tpu.memory_space<semaphore_mem>>)
    %dma_start3A_60 = arith.constant 280 : i32
    %dma_start3A_61 = arith.constant 0 : i32
    %dma_start3A_62 = tpu.memref_slice %arg6[%dma_start3A_60, %dma_start3A_61] : memref<800x128xf32, #tpu.memory_space<vmem>> -> memref<40x128xf32, #tpu.memory_space<vmem>>
    %dma_start3A_63 = arith.constant 280 : i32
    %dma_start3A_64 = tpu.memref_slice %arg5[%dma_start3A_63] : memref<6400xi32, #tpu.memory_space<vmem>> -> memref<40xi32, #tpu.memory_space<vmem>>
    %dma_start3A_65 = arith.constant 0 : i32
    %dma_start3A_66 = arith.constant 0 : i32
    %dma_start3A_67 = tpu.memref_slice %arg3[%dma_start3A_65, %dma_start3A_66] : memref<100000x128xf32, #tpu.memory_space<hbm>> -> memref<100000x128xf32, #tpu.memory_space<hbm>>
    tpu.enqueue_indirect_dma source(%dma_start3A_67 : memref<100000x128xf32, #tpu.memory_space<hbm>>) target(%dma_start3A_62 : memref<40x128xf32, #tpu.memory_space<vmem>>) offsets(%dma_start3A_64 : memref<40xi32, #tpu.memory_space<vmem>>) semaphore(%arg8 : memref<!tpu.dma_semaphore, #tpu.memory_space<semaphore_mem>>)
    %dma_start3A_68 = arith.constant 320 : i32
    %dma_start3A_69 = arith.constant 0 : i32
    %dma_start3A_70 = tpu.memref_slice %arg6[%dma_start3A_68, %dma_start3A_69] : memref<800x128xf32, #tpu.memory_space<vmem>> -> memref<40x128xf32, #tpu.memory_space<vmem>>
    %dma_start3A_71 = arith.constant 320 : i32
    %dma_start3A_72 = tpu.memref_slice %arg5[%dma_start3A_71] : memref<6400xi32, #tpu.memory_space<vmem>> -> memref<40xi32, #tpu.memory_space<vmem>>
    %dma_start3A_73 = arith.constant 0 : i32
    %dma_start3A_74 = arith.constant 0 : i32
    %dma_start3A_75 = tpu.memref_slice %arg3[%dma_start3A_73, %dma_start3A_74] : memref<100000x128xf32, #tpu.memory_space<hbm>> -> memref<100000x128xf32, #tpu.memory_space<hbm>>
    tpu.enqueue_indirect_dma source(%dma_start3A_75 : memref<100000x128xf32, #tpu.memory_space<hbm>>) target(%dma_start3A_70 : memref<40x128xf32, #tpu.memory_space<vmem>>) offsets(%dma_start3A_72 : memref<40xi32, #tpu.memory_space<vmem>>) semaphore(%arg8 : memref<!tpu.dma_semaphore, #tpu.memory_space<semaphore_mem>>)
    %dma_start3A_76 = arith.constant 360 : i32
    %dma_start3A_77 = arith.constant 0 : i32
    %dma_start3A_78 = tpu.memref_slice %arg6[%dma_start3A_76, %dma_start3A_77] : memref<800x128xf32, #tpu.memory_space<vmem>> -> memref<40x128xf32, #tpu.memory_space<vmem>>
    %dma_start3A_79 = arith.constant 360 : i32
    %dma_start3A_80 = tpu.memref_slice %arg5[%dma_start3A_79] : memref<6400xi32, #tpu.memory_space<vmem>> -> memref<40xi32, #tpu.memory_space<vmem>>
    %dma_start3A_81 = arith.constant 0 : i32
    %dma_start3A_82 = arith.constant 0 : i32
    %dma_start3A_83 = tpu.memref_slice %arg3[%dma_start3A_81, %dma_start3A_82] : memref<100000x128xf32, #tpu.memory_space<hbm>> -> memref<100000x128xf32, #tpu.memory_space<hbm>>
    tpu.enqueue_indirect_dma source(%dma_start3A_83 : memref<100000x128xf32, #tpu.memory_space<hbm>>) target(%dma_start3A_78 : memref<40x128xf32, #tpu.memory_space<vmem>>) offsets(%dma_start3A_80 : memref<40xi32, #tpu.memory_space<vmem>>) semaphore(%arg8 : memref<!tpu.dma_semaphore, #tpu.memory_space<semaphore_mem>>)
    %dma_start3A_84 = arith.constant 400 : i32
    %dma_start3A_85 = arith.constant 0 : i32
    %dma_start3A_86 = tpu.memref_slice %arg6[%dma_start3A_84, %dma_start3A_85] : memref<800x128xf32, #tpu.memory_space<vmem>> -> memref<40x128xf32, #tpu.memory_space<vmem>>
    %dma_start3A_87 = arith.constant 400 : i32
    %dma_start3A_88 = tpu.memref_slice %arg5[%dma_start3A_87] : memref<6400xi32, #tpu.memory_space<vmem>> -> memref<40xi32, #tpu.memory_space<vmem>>
    %dma_start3A_89 = arith.constant 0 : i32
    %dma_start3A_90 = arith.constant 0 : i32
    %dma_start3A_91 = tpu.memref_slice %arg3[%dma_start3A_89, %dma_start3A_90] : memref<100000x128xf32, #tpu.memory_space<hbm>> -> memref<100000x128xf32, #tpu.memory_space<hbm>>
    tpu.enqueue_indirect_dma source(%dma_start3A_91 : memref<100000x128xf32, #tpu.memory_space<hbm>>) target(%dma_start3A_86 : memref<40x128xf32, #tpu.memory_space<vmem>>) offsets(%dma_start3A_88 : memref<40xi32, #tpu.memory_space<vmem>>) semaphore(%arg9 : memref<!tpu.dma_semaphore, #tpu.memory_space<semaphore_mem>>)
    %dma_start3A_92 = arith.constant 440 : i32
    %dma_start3A_93 = arith.constant 0 : i32
    %dma_start3A_94 = tpu.memref_slice %arg6[%dma_start3A_92, %dma_start3A_93] : memref<800x128xf32, #tpu.memory_space<vmem>> -> memref<40x128xf32, #tpu.memory_space<vmem>>
    %dma_start3A_95 = arith.constant 440 : i32
    %dma_start3A_96 = tpu.memref_slice %arg5[%dma_start3A_95] : memref<6400xi32, #tpu.memory_space<vmem>> -> memref<40xi32, #tpu.memory_space<vmem>>
    %dma_start3A_97 = arith.constant 0 : i32
    %dma_start3A_98 = arith.constant 0 : i32
    %dma_start3A_99 = tpu.memref_slice %arg3[%dma_start3A_97, %dma_start3A_98] : memref<100000x128xf32, #tpu.memory_space<hbm>> -> memref<100000x128xf32, #tpu.memory_space<hbm>>
    tpu.enqueue_indirect_dma source(%dma_start3A_99 : memref<100000x128xf32, #tpu.memory_space<hbm>>) target(%dma_start3A_94 : memref<40x128xf32, #tpu.memory_space<vmem>>) offsets(%dma_start3A_96 : memref<40xi32, #tpu.memory_space<vmem>>) semaphore(%arg9 : memref<!tpu.dma_semaphore, #tpu.memory_space<semaphore_mem>>)
    %dma_start3A_100 = arith.constant 480 : i32
    %dma_start3A_101 = arith.constant 0 : i32
    %dma_start3A_102 = tpu.memref_slice %arg6[%dma_start3A_100, %dma_start3A_101] : memref<800x128xf32, #tpu.memory_space<vmem>> -> memref<40x128xf32, #tpu.memory_space<vmem>>
    %dma_start3A_103 = arith.constant 480 : i32
    %dma_start3A_104 = tpu.memref_slice %arg5[%dma_start3A_103] : memref<6400xi32, #tpu.memory_space<vmem>> -> memref<40xi32, #tpu.memory_space<vmem>>
    %dma_start3A_105 = arith.constant 0 : i32
    %dma_start3A_106 = arith.constant 0 : i32
    %dma_start3A_107 = tpu.memref_slice %arg3[%dma_start3A_105, %dma_start3A_106] : memref<100000x128xf32, #tpu.memory_space<hbm>> -> memref<100000x128xf32, #tpu.memory_space<hbm>>
    tpu.enqueue_indirect_dma source(%dma_start3A_107 : memref<100000x128xf32, #tpu.memory_space<hbm>>) target(%dma_start3A_102 : memref<40x128xf32, #tpu.memory_space<vmem>>) offsets(%dma_start3A_104 : memref<40xi32, #tpu.memory_space<vmem>>) semaphore(%arg9 : memref<!tpu.dma_semaphore, #tpu.memory_space<semaphore_mem>>)
    %dma_start3A_108 = arith.constant 520 : i32
    %dma_start3A_109 = arith.constant 0 : i32
    %dma_start3A_110 = tpu.memref_slice %arg6[%dma_start3A_108, %dma_start3A_109] : memref<800x128xf32, #tpu.memory_space<vmem>> -> memref<40x128xf32, #tpu.memory_space<vmem>>
    %dma_start3A_111 = arith.constant 520 : i32
    %dma_start3A_112 = tpu.memref_slice %arg5[%dma_start3A_111] : memref<6400xi32, #tpu.memory_space<vmem>> -> memref<40xi32, #tpu.memory_space<vmem>>
    %dma_start3A_113 = arith.constant 0 : i32
    %dma_start3A_114 = arith.constant 0 : i32
    %dma_start3A_115 = tpu.memref_slice %arg3[%dma_start3A_113, %dma_start3A_114] : memref<100000x128xf32, #tpu.memory_space<hbm>> -> memref<100000x128xf32, #tpu.memory_space<hbm>>
    tpu.enqueue_indirect_dma source(%dma_start3A_115 : memref<100000x128xf32, #tpu.memory_space<hbm>>) target(%dma_start3A_110 : memref<40x128xf32, #tpu.memory_space<vmem>>) offsets(%dma_start3A_112 : memref<40xi32, #tpu.memory_space<vmem>>) semaphore(%arg9 : memref<!tpu.dma_semaphore, #tpu.memory_space<semaphore_mem>>)
    %dma_start3A_116 = arith.constant 560 : i32
    %dma_start3A_117 = arith.constant 0 : i32
    %dma_start3A_118 = tpu.memref_slice %arg6[%dma_start3A_116, %dma_start3A_117] : memref<800x128xf32, #tpu.memory_space<vmem>> -> memref<40x128xf32, #tpu.memory_space<vmem>>
    %dma_start3A_119 = arith.constant 560 : i32
    %dma_start3A_120 = tpu.memref_slice %arg5[%dma_start3A_119] : memref<6400xi32, #tpu.memory_space<vmem>> -> memref<40xi32, #tpu.memory_space<vmem>>
    %dma_start3A_121 = arith.constant 0 : i32
    %dma_start3A_122 = arith.constant 0 : i32
    %dma_start3A_123 = tpu.memref_slice %arg3[%dma_start3A_121, %dma_start3A_122] : memref<100000x128xf32, #tpu.memory_space<hbm>> -> memref<100000x128xf32, #tpu.memory_space<hbm>>
    tpu.enqueue_indirect_dma source(%dma_start3A_123 : memref<100000x128xf32, #tpu.memory_space<hbm>>) target(%dma_start3A_118 : memref<40x128xf32, #tpu.memory_space<vmem>>) offsets(%dma_start3A_120 : memref<40xi32, #tpu.memory_space<vmem>>) semaphore(%arg9 : memref<!tpu.dma_semaphore, #tpu.memory_space<semaphore_mem>>)
    %dma_start3A_124 = arith.constant 600 : i32
    %dma_start3A_125 = arith.constant 0 : i32
    %dma_start3A_126 = tpu.memref_slice %arg6[%dma_start3A_124, %dma_start3A_125] : memref<800x128xf32, #tpu.memory_space<vmem>> -> memref<40x128xf32, #tpu.memory_space<vmem>>
    %dma_start3A_127 = arith.constant 600 : i32
    %dma_start3A_128 = tpu.memref_slice %arg5[%dma_start3A_127] : memref<6400xi32, #tpu.memory_space<vmem>> -> memref<40xi32, #tpu.memory_space<vmem>>
    %dma_start3A_129 = arith.constant 0 : i32
    %dma_start3A_130 = arith.constant 0 : i32
    %dma_start3A_131 = tpu.memref_slice %arg3[%dma_start3A_129, %dma_start3A_130] : memref<100000x128xf32, #tpu.memory_space<hbm>> -> memref<100000x128xf32, #tpu.memory_space<hbm>>
    tpu.enqueue_indirect_dma source(%dma_start3A_131 : memref<100000x128xf32, #tpu.memory_space<hbm>>) target(%dma_start3A_126 : memref<40x128xf32, #tpu.memory_space<vmem>>) offsets(%dma_start3A_128 : memref<40xi32, #tpu.memory_space<vmem>>) semaphore(%arg10 : memref<!tpu.dma_semaphore, #tpu.memory_space<semaphore_mem>>)
    %dma_start3A_132 = arith.constant 640 : i32
    %dma_start3A_133 = arith.constant 0 : i32
    %dma_start3A_134 = tpu.memref_slice %arg6[%dma_start3A_132, %dma_start3A_133] : memref<800x128xf32, #tpu.memory_space<vmem>> -> memref<40x128xf32, #tpu.memory_space<vmem>>
    %dma_start3A_135 = arith.constant 640 : i32
    %dma_start3A_136 = tpu.memref_slice %arg5[%dma_start3A_135] : memref<6400xi32, #tpu.memory_space<vmem>> -> memref<40xi32, #tpu.memory_space<vmem>>
    %dma_start3A_137 = arith.constant 0 : i32
    %dma_start3A_138 = arith.constant 0 : i32
    %dma_start3A_139 = tpu.memref_slice %arg3[%dma_start3A_137, %dma_start3A_138] : memref<100000x128xf32, #tpu.memory_space<hbm>> -> memref<100000x128xf32, #tpu.memory_space<hbm>>
    tpu.enqueue_indirect_dma source(%dma_start3A_139 : memref<100000x128xf32, #tpu.memory_space<hbm>>) target(%dma_start3A_134 : memref<40x128xf32, #tpu.memory_space<vmem>>) offsets(%dma_start3A_136 : memref<40xi32, #tpu.memory_space<vmem>>) semaphore(%arg10 : memref<!tpu.dma_semaphore, #tpu.memory_space<semaphore_mem>>)
    %dma_start3A_140 = arith.constant 680 : i32
    %dma_start3A_141 = arith.constant 0 : i32
    %dma_start3A_142 = tpu.memref_slice %arg6[%dma_start3A_140, %dma_start3A_141] : memref<800x128xf32, #tpu.memory_space<vmem>> -> memref<40x128xf32, #tpu.memory_space<vmem>>
    %dma_start3A_143 = arith.constant 680 : i32
    %dma_start3A_144 = tpu.memref_slice %arg5[%dma_start3A_143] : memref<6400xi32, #tpu.memory_space<vmem>> -> memref<40xi32, #tpu.memory_space<vmem>>
    %dma_start3A_145 = arith.constant 0 : i32
    %dma_start3A_146 = arith.constant 0 : i32
    %dma_start3A_147 = tpu.memref_slice %arg3[%dma_start3A_145, %dma_start3A_146] : memref<100000x128xf32, #tpu.memory_space<hbm>> -> memref<100000x128xf32, #tpu.memory_space<hbm>>
    tpu.enqueue_indirect_dma source(%dma_start3A_147 : memref<100000x128xf32, #tpu.memory_space<hbm>>) target(%dma_start3A_142 : memref<40x128xf32, #tpu.memory_space<vmem>>) offsets(%dma_start3A_144 : memref<40xi32, #tpu.memory_space<vmem>>) semaphore(%arg10 : memref<!tpu.dma_semaphore, #tpu.memory_space<semaphore_mem>>)
    %dma_start3A_148 = arith.constant 720 : i32
    %dma_start3A_149 = arith.constant 0 : i32
    %dma_start3A_150 = tpu.memref_slice %arg6[%dma_start3A_148, %dma_start3A_149] : memref<800x128xf32, #tpu.memory_space<vmem>> -> memref<40x128xf32, #tpu.memory_space<vmem>>
    %dma_start3A_151 = arith.constant 720 : i32
    %dma_start3A_152 = tpu.memref_slice %arg5[%dma_start3A_151] : memref<6400xi32, #tpu.memory_space<vmem>> -> memref<40xi32, #tpu.memory_space<vmem>>
    %dma_start3A_153 = arith.constant 0 : i32
    %dma_start3A_154 = arith.constant 0 : i32
    %dma_start3A_155 = tpu.memref_slice %arg3[%dma_start3A_153, %dma_start3A_154] : memref<100000x128xf32, #tpu.memory_space<hbm>> -> memref<100000x128xf32, #tpu.memory_space<hbm>>
    tpu.enqueue_indirect_dma source(%dma_start3A_155 : memref<100000x128xf32, #tpu.memory_space<hbm>>) target(%dma_start3A_150 : memref<40x128xf32, #tpu.memory_space<vmem>>) offsets(%dma_start3A_152 : memref<40xi32, #tpu.memory_space<vmem>>) semaphore(%arg10 : memref<!tpu.dma_semaphore, #tpu.memory_space<semaphore_mem>>)
    %dma_start3A_156 = arith.constant 760 : i32
    %dma_start3A_157 = arith.constant 0 : i32
    %dma_start3A_158 = tpu.memref_slice %arg6[%dma_start3A_156, %dma_start3A_157] : memref<800x128xf32, #tpu.memory_space<vmem>> -> memref<40x128xf32, #tpu.memory_space<vmem>>
    %dma_start3A_159 = arith.constant 760 : i32
    %dma_start3A_160 = tpu.memref_slice %arg5[%dma_start3A_159] : memref<6400xi32, #tpu.memory_space<vmem>> -> memref<40xi32, #tpu.memory_space<vmem>>
    %dma_start3A_161 = arith.constant 0 : i32
    %dma_start3A_162 = arith.constant 0 : i32
    %dma_start3A_163 = tpu.memref_slice %arg3[%dma_start3A_161, %dma_start3A_162] : memref<100000x128xf32, #tpu.memory_space<hbm>> -> memref<100000x128xf32, #tpu.memory_space<hbm>>
    tpu.enqueue_indirect_dma source(%dma_start3A_163 : memref<100000x128xf32, #tpu.memory_space<hbm>>) target(%dma_start3A_158 : memref<40x128xf32, #tpu.memory_space<vmem>>) offsets(%dma_start3A_160 : memref<40xi32, #tpu.memory_space<vmem>>) semaphore(%arg10 : memref<!tpu.dma_semaphore, #tpu.memory_space<semaphore_mem>>)
    %scan3A = arith.constant 0 : i32
    %scan3A_164 = arith.constant 0 : i32
    %scan3A_165 = arith.constant 8 : i32
    %scan3A_166 = arith.addi %scan3A_164, %scan3A_165 : i32
    %scan3A_167 = arith.constant 1 : i32
    scf.for %scan3A_216 = %scan3A_164 to %scan3A_166 step %scan3A_167  : i32 {
      %mul3A_217 = arith.constant 4 : i32
      %mul3A_218 = arith.muli %scan3A_216, %mul3A_217 : i32
      %add3A_219 = arith.constant 0 : i32
      %add3A_220 = arith.addi %mul3A_218, %add3A_219 : i32
      %dma_wait3A_221 = arith.constant 0 : i32
      %dma_wait3A_222 = arith.constant 0 : i32
      %dma_wait3A_223 = tpu.memref_slice %arg6[%dma_wait3A_221, %dma_wait3A_222] : memref<800x128xf32, #tpu.memory_space<vmem>> -> memref<200x128xf32, #tpu.memory_space<vmem>>
      %dma_wait3A_224 = arith.constant 0 : i32
      %dma_wait3A_225 = arith.constant 0 : i32
      %dma_wait3A_226 = tpu.memref_slice %arg3[%dma_wait3A_224, %dma_wait3A_225] : memref<100000x128xf32, #tpu.memory_space<hbm>> -> memref<200x128xf32, #tpu.memory_space<hbm>>
      %dma_wait3A_227 = arith.constant 0 : i32
      %dma_wait3A_228 = arith.constant 0 : i32
      %dma_wait3A_229 = tpu.memref_slice %arg6[%dma_wait3A_227, %dma_wait3A_228] : memref<800x128xf32, #tpu.memory_space<vmem>> -> memref<200x128xf32, #tpu.memory_space<vmem>>
      %dma_wait3A_230 = arith.constant 0 : i32
      %dma_wait3A_231 = arith.constant 0 : i32
      %dma_wait3A_232 = tpu.memref_slice %arg3[%dma_wait3A_230, %dma_wait3A_231] : memref<100000x128xf32, #tpu.memory_space<hbm>> -> memref<200x128xf32, #tpu.memory_space<hbm>>
      tpu.wait_dma2 semaphore(%arg7 : memref<!tpu.dma_semaphore, #tpu.memory_space<semaphore_mem>>) src(%dma_wait3A_232 : memref<200x128xf32, #tpu.memory_space<hbm>>) dst(%dma_wait3A_229 : memref<200x128xf32, #tpu.memory_space<vmem>>)
      %mul3A_233 = arith.constant 4 : i32
      %mul3A_234 = arith.muli %add3A_220, %mul3A_233 : i32
      %add3A_235 = arith.addi %mul3A_4, %mul3A_234 : i32
      %add3A_236 = arith.constant 0 : i32
      %add3A_237 = arith.addi %add3A_235, %add3A_236 : i32
      %dma_start3A_238 = arith.constant 0 : i32
      %dma_start3A_239 = arith.constant 0 : i32
      %dma_start3A_240 = tpu.memref_slice %arg6[%dma_start3A_238, %dma_start3A_239] : memref<800x128xf32, #tpu.memory_space<vmem>> -> memref<50x128xf32, #tpu.memory_space<vmem>>
      %dma_start3A_241 = arith.constant 0 : i32
      %dma_start3A_242 = arith.constant 0 : i32
      %dma_start3A_243 = tpu.memref_slice %arg4[%add3A_237, %dma_start3A_241, %dma_start3A_242] : memref<4096x50x128xf32, #tpu.memory_space<hbm>> -> memref<1x50x128xf32, #tpu.memory_space<hbm>>
      %dma_start3A_244 = tpu.memref_squeeze %dma_start3A_243 : memref<1x50x128xf32, #tpu.memory_space<hbm>> -> memref<50x128xf32, #tpu.memory_space<hbm>>
      %dma_start3A_245 = arith.constant 0 : i32
      %dma_start3A_246 = arith.constant 0 : i32
      %dma_start3A_247 = tpu.memref_slice %arg4[%add3A_237, %dma_start3A_245, %dma_start3A_246] : memref<4096x50x128xf32, #tpu.memory_space<hbm>> -> memref<1x50x128xf32, #tpu.memory_space<hbm>>
      %dma_start3A_248 = tpu.memref_squeeze %dma_start3A_247 : memref<1x50x128xf32, #tpu.memory_space<hbm>> -> memref<50x128xf32, #tpu.memory_space<hbm>>
      %dma_start3A_249 = arith.constant 0 : i32
      %dma_start3A_250 = arith.constant 0 : i32
      %dma_start3A_251 = tpu.memref_slice %arg6[%dma_start3A_249, %dma_start3A_250] : memref<800x128xf32, #tpu.memory_space<vmem>> -> memref<50x128xf32, #tpu.memory_space<vmem>>
      tpu.enqueue_dma source(%dma_start3A_251 : memref<50x128xf32, #tpu.memory_space<vmem>>) target(%dma_start3A_248 : memref<50x128xf32, #tpu.memory_space<hbm>>) target_semaphore(%arg11 : memref<!tpu.dma_semaphore, #tpu.memory_space<semaphore_mem>>)
      %mul3A_252 = arith.constant 4 : i32
      %mul3A_253 = arith.muli %add3A_220, %mul3A_252 : i32
      %add3A_254 = arith.addi %mul3A_4, %mul3A_253 : i32
      %add3A_255 = arith.constant 1 : i32
      %add3A_256 = arith.addi %add3A_254, %add3A_255 : i32
      %dma_start3A_257 = arith.constant 50 : i32
      %dma_start3A_258 = arith.constant 0 : i32
      %dma_start3A_259 = tpu.memref_slice %arg6[%dma_start3A_257, %dma_start3A_258] : memref<800x128xf32, #tpu.memory_space<vmem>> -> memref<50x128xf32, #tpu.memory_space<vmem>>
      %dma_start3A_260 = arith.constant 0 : i32
      %dma_start3A_261 = arith.constant 0 : i32
      %dma_start3A_262 = tpu.memref_slice %arg4[%add3A_256, %dma_start3A_260, %dma_start3A_261] : memref<4096x50x128xf32, #tpu.memory_space<hbm>> -> memref<1x50x128xf32, #tpu.memory_space<hbm>>
      %dma_start3A_263 = tpu.memref_squeeze %dma_start3A_262 : memref<1x50x128xf32, #tpu.memory_space<hbm>> -> memref<50x128xf32, #tpu.memory_space<hbm>>
      %dma_start3A_264 = arith.constant 0 : i32
      %dma_start3A_265 = arith.constant 0 : i32
      %dma_start3A_266 = tpu.memref_slice %arg4[%add3A_256, %dma_start3A_264, %dma_start3A_265] : memref<4096x50x128xf32, #tpu.memory_space<hbm>> -> memref<1x50x128xf32, #tpu.memory_space<hbm>>
      %dma_start3A_267 = tpu.memref_squeeze %dma_start3A_266 : memref<1x50x128xf32, #tpu.memory_space<hbm>> -> memref<50x128xf32, #tpu.memory_space<hbm>>
      %dma_start3A_268 = arith.constant 50 : i32
      %dma_start3A_269 = arith.constant 0 : i32
      %dma_start3A_270 = tpu.memref_slice %arg6[%dma_start3A_268, %dma_start3A_269] : memref<800x128xf32, #tpu.memory_space<vmem>> -> memref<50x128xf32, #tpu.memory_space<vmem>>
      tpu.enqueue_dma source(%dma_start3A_270 : memref<50x128xf32, #tpu.memory_space<vmem>>) target(%dma_start3A_267 : memref<50x128xf32, #tpu.memory_space<hbm>>) target_semaphore(%arg11 : memref<!tpu.dma_semaphore, #tpu.memory_space<semaphore_mem>>)
      %mul3A_271 = arith.constant 4 : i32
      %mul3A_272 = arith.muli %add3A_220, %mul3A_271 : i32
      %add3A_273 = arith.addi %mul3A_4, %mul3A_272 : i32
      %add3A_274 = arith.constant 2 : i32
      %add3A_275 = arith.addi %add3A_273, %add3A_274 : i32
      %dma_start3A_276 = arith.constant 100 : i32
      %dma_start3A_277 = arith.constant 0 : i32
      %dma_start3A_278 = tpu.memref_slice %arg6[%dma_start3A_276, %dma_start3A_277] : memref<800x128xf32, #tpu.memory_space<vmem>> -> memref<50x128xf32, #tpu.memory_space<vmem>>
      %dma_start3A_279 = arith.constant 0 : i32
      %dma_start3A_280 = arith.constant 0 : i32
      %dma_start3A_281 = tpu.memref_slice %arg4[%add3A_275, %dma_start3A_279, %dma_start3A_280] : memref<4096x50x128xf32, #tpu.memory_space<hbm>> -> memref<1x50x128xf32, #tpu.memory_space<hbm>>
      %dma_start3A_282 = tpu.memref_squeeze %dma_start3A_281 : memref<1x50x128xf32, #tpu.memory_space<hbm>> -> memref<50x128xf32, #tpu.memory_space<hbm>>
      %dma_start3A_283 = arith.constant 0 : i32
      %dma_start3A_284 = arith.constant 0 : i32
      %dma_start3A_285 = tpu.memref_slice %arg4[%add3A_275, %dma_start3A_283, %dma_start3A_284] : memref<4096x50x128xf32, #tpu.memory_space<hbm>> -> memref<1x50x128xf32, #tpu.memory_space<hbm>>
      %dma_start3A_286 = tpu.memref_squeeze %dma_start3A_285 : memref<1x50x128xf32, #tpu.memory_space<hbm>> -> memref<50x128xf32, #tpu.memory_space<hbm>>
      %dma_start3A_287 = arith.constant 100 : i32
      %dma_start3A_288 = arith.constant 0 : i32
      %dma_start3A_289 = tpu.memref_slice %arg6[%dma_start3A_287, %dma_start3A_288] : memref<800x128xf32, #tpu.memory_space<vmem>> -> memref<50x128xf32, #tpu.memory_space<vmem>>
      tpu.enqueue_dma source(%dma_start3A_289 : memref<50x128xf32, #tpu.memory_space<vmem>>) target(%dma_start3A_286 : memref<50x128xf32, #tpu.memory_space<hbm>>) target_semaphore(%arg11 : memref<!tpu.dma_semaphore, #tpu.memory_space<semaphore_mem>>)
      %mul3A_290 = arith.constant 4 : i32
      %mul3A_291 = arith.muli %add3A_220, %mul3A_290 : i32
      %add3A_292 = arith.addi %mul3A_4, %mul3A_291 : i32
      %add3A_293 = arith.constant 3 : i32
      %add3A_294 = arith.addi %add3A_292, %add3A_293 : i32
      %dma_start3A_295 = arith.constant 150 : i32
      %dma_start3A_296 = arith.constant 0 : i32
      %dma_start3A_297 = tpu.memref_slice %arg6[%dma_start3A_295, %dma_start3A_296] : memref<800x128xf32, #tpu.memory_space<vmem>> -> memref<50x128xf32, #tpu.memory_space<vmem>>
      %dma_start3A_298 = arith.constant 0 : i32
      %dma_start3A_299 = arith.constant 0 : i32
      %dma_start3A_300 = tpu.memref_slice %arg4[%add3A_294, %dma_start3A_298, %dma_start3A_299] : memref<4096x50x128xf32, #tpu.memory_space<hbm>> -> memref<1x50x128xf32, #tpu.memory_space<hbm>>
      %dma_start3A_301 = tpu.memref_squeeze %dma_start3A_300 : memref<1x50x128xf32, #tpu.memory_space<hbm>> -> memref<50x128xf32, #tpu.memory_space<hbm>>
      %dma_start3A_302 = arith.constant 0 : i32
      %dma_start3A_303 = arith.constant 0 : i32
      %dma_start3A_304 = tpu.memref_slice %arg4[%add3A_294, %dma_start3A_302, %dma_start3A_303] : memref<4096x50x128xf32, #tpu.memory_space<hbm>> -> memref<1x50x128xf32, #tpu.memory_space<hbm>>
      %dma_start3A_305 = tpu.memref_squeeze %dma_start3A_304 : memref<1x50x128xf32, #tpu.memory_space<hbm>> -> memref<50x128xf32, #tpu.memory_space<hbm>>
      %dma_start3A_306 = arith.constant 150 : i32
      %dma_start3A_307 = arith.constant 0 : i32
      %dma_start3A_308 = tpu.memref_slice %arg6[%dma_start3A_306, %dma_start3A_307] : memref<800x128xf32, #tpu.memory_space<vmem>> -> memref<50x128xf32, #tpu.memory_space<vmem>>
      tpu.enqueue_dma source(%dma_start3A_308 : memref<50x128xf32, #tpu.memory_space<vmem>>) target(%dma_start3A_305 : memref<50x128xf32, #tpu.memory_space<hbm>>) target_semaphore(%arg11 : memref<!tpu.dma_semaphore, #tpu.memory_space<semaphore_mem>>)
      %add3A_309 = arith.constant 4 : i32
      %add3A_310 = arith.addi %add3A_220, %add3A_309 : i32
      %sub3A = arith.constant 1 : i32
      %sub3A_311 = arith.subi %add3A_310, %sub3A : i32
      %ge3A = arith.constant 4 : i32
      %ge3A_312 = arith.cmpi sge, %sub3A_311, %ge3A : i32
      %lt3A = arith.constant 32 : i32
      %lt3A_313 = arith.cmpi slt, %sub3A_311, %lt3A : i32
      %and3A = arith.andi %ge3A_312, %lt3A_313 : i1
      %convert_element_type3A = arith.extui %and3A : i1 to i32
      %cond3A = arith.constant 0 : i32
      %cond3A_314 = arith.cmpi ne, %convert_element_type3A, %cond3A : i32
      scf.if %cond3A_314 {
        %dma_wait3A_627 = arith.constant 600 : i32
        %dma_wait3A_628 = arith.constant 0 : i32
        %dma_wait3A_629 = tpu.memref_slice %arg6[%dma_wait3A_627, %dma_wait3A_628] : memref<800x128xf32, #tpu.memory_space<vmem>> -> memref<200x128xf32, #tpu.memory_space<vmem>>
        %dma_wait3A_630 = arith.constant 0 : i32
        %dma_wait3A_631 = arith.constant 0 : i32
        %dma_wait3A_632 = tpu.memref_slice %arg3[%dma_wait3A_630, %dma_wait3A_631] : memref<100000x128xf32, #tpu.memory_space<hbm>> -> memref<200x128xf32, #tpu.memory_space<hbm>>
        %dma_wait3A_633 = arith.constant 600 : i32
        %dma_wait3A_634 = arith.constant 0 : i32
        %dma_wait3A_635 = tpu.memref_slice %arg6[%dma_wait3A_633, %dma_wait3A_634] : memref<800x128xf32, #tpu.memory_space<vmem>> -> memref<200x128xf32, #tpu.memory_space<vmem>>
        %dma_wait3A_636 = arith.constant 0 : i32
        %dma_wait3A_637 = arith.constant 0 : i32
        %dma_wait3A_638 = tpu.memref_slice %arg3[%dma_wait3A_636, %dma_wait3A_637] : memref<100000x128xf32, #tpu.memory_space<hbm>> -> memref<200x128xf32, #tpu.memory_space<hbm>>
        tpu.wait_dma2 semaphore(%arg14 : memref<!tpu.dma_semaphore, #tpu.memory_space<semaphore_mem>>) src(%dma_wait3A_638 : memref<200x128xf32, #tpu.memory_space<hbm>>) dst(%dma_wait3A_635 : memref<200x128xf32, #tpu.memory_space<vmem>>)
        %mul3A_639 = arith.constant 200 : i32
        %mul3A_640 = arith.muli %sub3A_311, %mul3A_639 : i32
        %add3A_641 = arith.constant 0 : i32
        %add3A_642 = arith.addi %mul3A_640, %add3A_641 : i32
        %dma_start3A_643 = arith.constant 600 : i32
        %dma_start3A_644 = arith.constant 0 : i32
        %dma_start3A_645 = tpu.memref_slice %arg6[%dma_start3A_643, %dma_start3A_644] : memref<800x128xf32, #tpu.memory_space<vmem>> -> memref<40x128xf32, #tpu.memory_space<vmem>>
        %dma_start3A_646 = tpu.memref_slice %arg5[%add3A_642] : memref<6400xi32, #tpu.memory_space<vmem>> -> memref<40xi32, #tpu.memory_space<vmem>>
        %dma_start3A_647 = arith.constant 0 : i32
        %dma_start3A_648 = arith.constant 0 : i32
        %dma_start3A_649 = tpu.memref_slice %arg3[%dma_start3A_647, %dma_start3A_648] : memref<100000x128xf32, #tpu.memory_space<hbm>> -> memref<100000x128xf32, #tpu.memory_space<hbm>>
        tpu.enqueue_indirect_dma source(%dma_start3A_649 : memref<100000x128xf32, #tpu.memory_space<hbm>>) target(%dma_start3A_645 : memref<40x128xf32, #tpu.memory_space<vmem>>) offsets(%dma_start3A_646 : memref<40xi32, #tpu.memory_space<vmem>>) semaphore(%arg10 : memref<!tpu.dma_semaphore, #tpu.memory_space<semaphore_mem>>)
        %mul3A_650 = arith.constant 200 : i32
        %mul3A_651 = arith.muli %sub3A_311, %mul3A_650 : i32
        %add3A_652 = arith.constant 40 : i32
        %add3A_653 = arith.addi %mul3A_651, %add3A_652 : i32
        %dma_start3A_654 = arith.constant 640 : i32
        %dma_start3A_655 = arith.constant 0 : i32
        %dma_start3A_656 = tpu.memref_slice %arg6[%dma_start3A_654, %dma_start3A_655] : memref<800x128xf32, #tpu.memory_space<vmem>> -> memref<40x128xf32, #tpu.memory_space<vmem>>
        %dma_start3A_657 = tpu.memref_slice %arg5[%add3A_653] : memref<6400xi32, #tpu.memory_space<vmem>> -> memref<40xi32, #tpu.memory_space<vmem>>
        %dma_start3A_658 = arith.constant 0 : i32
        %dma_start3A_659 = arith.constant 0 : i32
        %dma_start3A_660 = tpu.memref_slice %arg3[%dma_start3A_658, %dma_start3A_659] : memref<100000x128xf32, #tpu.memory_space<hbm>> -> memref<100000x128xf32, #tpu.memory_space<hbm>>
        tpu.enqueue_indirect_dma source(%dma_start3A_660 : memref<100000x128xf32, #tpu.memory_space<hbm>>) target(%dma_start3A_656 : memref<40x128xf32, #tpu.memory_space<vmem>>) offsets(%dma_start3A_657 : memref<40xi32, #tpu.memory_space<vmem>>) semaphore(%arg10 : memref<!tpu.dma_semaphore, #tpu.memory_space<semaphore_mem>>)
        %mul3A_661 = arith.constant 200 : i32
        %mul3A_662 = arith.muli %sub3A_311, %mul3A_661 : i32
        %add3A_663 = arith.constant 80 : i32
        %add3A_664 = arith.addi %mul3A_662, %add3A_663 : i32
        %dma_start3A_665 = arith.constant 680 : i32
        %dma_start3A_666 = arith.constant 0 : i32
        %dma_start3A_667 = tpu.memref_slice %arg6[%dma_start3A_665, %dma_start3A_666] : memref<800x128xf32, #tpu.memory_space<vmem>> -> memref<40x128xf32, #tpu.memory_space<vmem>>
        %dma_start3A_668 = tpu.memref_slice %arg5[%add3A_664] : memref<6400xi32, #tpu.memory_space<vmem>> -> memref<40xi32, #tpu.memory_space<vmem>>
        %dma_start3A_669 = arith.constant 0 : i32
        %dma_start3A_670 = arith.constant 0 : i32
        %dma_start3A_671 = tpu.memref_slice %arg3[%dma_start3A_669, %dma_start3A_670] : memref<100000x128xf32, #tpu.memory_space<hbm>> -> memref<100000x128xf32, #tpu.memory_space<hbm>>
        tpu.enqueue_indirect_dma source(%dma_start3A_671 : memref<100000x128xf32, #tpu.memory_space<hbm>>) target(%dma_start3A_667 : memref<40x128xf32, #tpu.memory_space<vmem>>) offsets(%dma_start3A_668 : memref<40xi32, #tpu.memory_space<vmem>>) semaphore(%arg10 : memref<!tpu.dma_semaphore, #tpu.memory_space<semaphore_mem>>)
        %mul3A_672 = arith.constant 200 : i32
        %mul3A_673 = arith.muli %sub3A_311, %mul3A_672 : i32
        %add3A_674 = arith.constant 120 : i32
        %add3A_675 = arith.addi %mul3A_673, %add3A_674 : i32
        %dma_start3A_676 = arith.constant 720 : i32
        %dma_start3A_677 = arith.constant 0 : i32
        %dma_start3A_678 = tpu.memref_slice %arg6[%dma_start3A_676, %dma_start3A_677] : memref<800x128xf32, #tpu.memory_space<vmem>> -> memref<40x128xf32, #tpu.memory_space<vmem>>
        %dma_start3A_679 = tpu.memref_slice %arg5[%add3A_675] : memref<6400xi32, #tpu.memory_space<vmem>> -> memref<40xi32, #tpu.memory_space<vmem>>
        %dma_start3A_680 = arith.constant 0 : i32
        %dma_start3A_681 = arith.constant 0 : i32
        %dma_start3A_682 = tpu.memref_slice %arg3[%dma_start3A_680, %dma_start3A_681] : memref<100000x128xf32, #tpu.memory_space<hbm>> -> memref<100000x128xf32, #tpu.memory_space<hbm>>
        tpu.enqueue_indirect_dma source(%dma_start3A_682 : memref<100000x128xf32, #tpu.memory_space<hbm>>) target(%dma_start3A_678 : memref<40x128xf32, #tpu.memory_space<vmem>>) offsets(%dma_start3A_679 : memref<40xi32, #tpu.memory_space<vmem>>) semaphore(%arg10 : memref<!tpu.dma_semaphore, #tpu.memory_space<semaphore_mem>>)
        %mul3A_683 = arith.constant 200 : i32
        %mul3A_684 = arith.muli %sub3A_311, %mul3A_683 : i32
        %add3A_685 = arith.constant 160 : i32
        %add3A_686 = arith.addi %mul3A_684, %add3A_685 : i32
        %dma_start3A_687 = arith.constant 760 : i32
        %dma_start3A_688 = arith.constant 0 : i32
        %dma_start3A_689 = tpu.memref_slice %arg6[%dma_start3A_687, %dma_start3A_688] : memref<800x128xf32, #tpu.memory_space<vmem>> -> memref<40x128xf32, #tpu.memory_space<vmem>>
        %dma_start3A_690 = tpu.memref_slice %arg5[%add3A_686] : memref<6400xi32, #tpu.memory_space<vmem>> -> memref<40xi32, #tpu.memory_space<vmem>>
        %dma_start3A_691 = arith.constant 0 : i32
        %dma_start3A_692 = arith.constant 0 : i32
        %dma_start3A_693 = tpu.memref_slice %arg3[%dma_start3A_691, %dma_start3A_692] : memref<100000x128xf32, #tpu.memory_space<hbm>> -> memref<100000x128xf32, #tpu.memory_space<hbm>>
        tpu.enqueue_indirect_dma source(%dma_start3A_693 : memref<100000x128xf32, #tpu.memory_space<hbm>>) target(%dma_start3A_689 : memref<40x128xf32, #tpu.memory_space<vmem>>) offsets(%dma_start3A_690 : memref<40xi32, #tpu.memory_space<vmem>>) semaphore(%arg10 : memref<!tpu.dma_semaphore, #tpu.memory_space<semaphore_mem>>)
      } else {
      }
      %mul3A_315 = arith.constant 4 : i32
      %mul3A_316 = arith.muli %scan3A_216, %mul3A_315 : i32
      %add3A_317 = arith.constant 1 : i32
      %add3A_318 = arith.addi %mul3A_316, %add3A_317 : i32
      %dma_wait3A_319 = arith.constant 200 : i32
      %dma_wait3A_320 = arith.constant 0 : i32
      %dma_wait3A_321 = tpu.memref_slice %arg6[%dma_wait3A_319, %dma_wait3A_320] : memref<800x128xf32, #tpu.memory_space<vmem>> -> memref<200x128xf32, #tpu.memory_space<vmem>>
      %dma_wait3A_322 = arith.constant 0 : i32
      %dma_wait3A_323 = arith.constant 0 : i32
      %dma_wait3A_324 = tpu.memref_slice %arg3[%dma_wait3A_322, %dma_wait3A_323] : memref<100000x128xf32, #tpu.memory_space<hbm>> -> memref<200x128xf32, #tpu.memory_space<hbm>>
      %dma_wait3A_325 = arith.constant 200 : i32
      %dma_wait3A_326 = arith.constant 0 : i32
      %dma_wait3A_327 = tpu.memref_slice %arg6[%dma_wait3A_325, %dma_wait3A_326] : memref<800x128xf32, #tpu.memory_space<vmem>> -> memref<200x128xf32, #tpu.memory_space<vmem>>
      %dma_wait3A_328 = arith.constant 0 : i32
      %dma_wait3A_329 = arith.constant 0 : i32
      %dma_wait3A_330 = tpu.memref_slice %arg3[%dma_wait3A_328, %dma_wait3A_329] : memref<100000x128xf32, #tpu.memory_space<hbm>> -> memref<200x128xf32, #tpu.memory_space<hbm>>
      tpu.wait_dma2 semaphore(%arg8 : memref<!tpu.dma_semaphore, #tpu.memory_space<semaphore_mem>>) src(%dma_wait3A_330 : memref<200x128xf32, #tpu.memory_space<hbm>>) dst(%dma_wait3A_327 : memref<200x128xf32, #tpu.memory_space<vmem>>)
      %mul3A_331 = arith.constant 4 : i32
      %mul3A_332 = arith.muli %add3A_318, %mul3A_331 : i32
      %add3A_333 = arith.addi %mul3A_4, %mul3A_332 : i32
      %add3A_334 = arith.constant 0 : i32
      %add3A_335 = arith.addi %add3A_333, %add3A_334 : i32
      %dma_start3A_336 = arith.constant 200 : i32
      %dma_start3A_337 = arith.constant 0 : i32
      %dma_start3A_338 = tpu.memref_slice %arg6[%dma_start3A_336, %dma_start3A_337] : memref<800x128xf32, #tpu.memory_space<vmem>> -> memref<50x128xf32, #tpu.memory_space<vmem>>
      %dma_start3A_339 = arith.constant 0 : i32
      %dma_start3A_340 = arith.constant 0 : i32
      %dma_start3A_341 = tpu.memref_slice %arg4[%add3A_335, %dma_start3A_339, %dma_start3A_340] : memref<4096x50x128xf32, #tpu.memory_space<hbm>> -> memref<1x50x128xf32, #tpu.memory_space<hbm>>
      %dma_start3A_342 = tpu.memref_squeeze %dma_start3A_341 : memref<1x50x128xf32, #tpu.memory_space<hbm>> -> memref<50x128xf32, #tpu.memory_space<hbm>>
      %dma_start3A_343 = arith.constant 0 : i32
      %dma_start3A_344 = arith.constant 0 : i32
      %dma_start3A_345 = tpu.memref_slice %arg4[%add3A_335, %dma_start3A_343, %dma_start3A_344] : memref<4096x50x128xf32, #tpu.memory_space<hbm>> -> memref<1x50x128xf32, #tpu.memory_space<hbm>>
      %dma_start3A_346 = tpu.memref_squeeze %dma_start3A_345 : memref<1x50x128xf32, #tpu.memory_space<hbm>> -> memref<50x128xf32, #tpu.memory_space<hbm>>
      %dma_start3A_347 = arith.constant 200 : i32
      %dma_start3A_348 = arith.constant 0 : i32
      %dma_start3A_349 = tpu.memref_slice %arg6[%dma_start3A_347, %dma_start3A_348] : memref<800x128xf32, #tpu.memory_space<vmem>> -> memref<50x128xf32, #tpu.memory_space<vmem>>
      tpu.enqueue_dma source(%dma_start3A_349 : memref<50x128xf32, #tpu.memory_space<vmem>>) target(%dma_start3A_346 : memref<50x128xf32, #tpu.memory_space<hbm>>) target_semaphore(%arg12 : memref<!tpu.dma_semaphore, #tpu.memory_space<semaphore_mem>>)
      %mul3A_350 = arith.constant 4 : i32
      %mul3A_351 = arith.muli %add3A_318, %mul3A_350 : i32
      %add3A_352 = arith.addi %mul3A_4, %mul3A_351 : i32
      %add3A_353 = arith.constant 1 : i32
      %add3A_354 = arith.addi %add3A_352, %add3A_353 : i32
      %dma_start3A_355 = arith.constant 250 : i32
      %dma_start3A_356 = arith.constant 0 : i32
      %dma_start3A_357 = tpu.memref_slice %arg6[%dma_start3A_355, %dma_start3A_356] : memref<800x128xf32, #tpu.memory_space<vmem>> -> memref<50x128xf32, #tpu.memory_space<vmem>>
      %dma_start3A_358 = arith.constant 0 : i32
      %dma_start3A_359 = arith.constant 0 : i32
      %dma_start3A_360 = tpu.memref_slice %arg4[%add3A_354, %dma_start3A_358, %dma_start3A_359] : memref<4096x50x128xf32, #tpu.memory_space<hbm>> -> memref<1x50x128xf32, #tpu.memory_space<hbm>>
      %dma_start3A_361 = tpu.memref_squeeze %dma_start3A_360 : memref<1x50x128xf32, #tpu.memory_space<hbm>> -> memref<50x128xf32, #tpu.memory_space<hbm>>
      %dma_start3A_362 = arith.constant 0 : i32
      %dma_start3A_363 = arith.constant 0 : i32
      %dma_start3A_364 = tpu.memref_slice %arg4[%add3A_354, %dma_start3A_362, %dma_start3A_363] : memref<4096x50x128xf32, #tpu.memory_space<hbm>> -> memref<1x50x128xf32, #tpu.memory_space<hbm>>
      %dma_start3A_365 = tpu.memref_squeeze %dma_start3A_364 : memref<1x50x128xf32, #tpu.memory_space<hbm>> -> memref<50x128xf32, #tpu.memory_space<hbm>>
      %dma_start3A_366 = arith.constant 250 : i32
      %dma_start3A_367 = arith.constant 0 : i32
      %dma_start3A_368 = tpu.memref_slice %arg6[%dma_start3A_366, %dma_start3A_367] : memref<800x128xf32, #tpu.memory_space<vmem>> -> memref<50x128xf32, #tpu.memory_space<vmem>>
      tpu.enqueue_dma source(%dma_start3A_368 : memref<50x128xf32, #tpu.memory_space<vmem>>) target(%dma_start3A_365 : memref<50x128xf32, #tpu.memory_space<hbm>>) target_semaphore(%arg12 : memref<!tpu.dma_semaphore, #tpu.memory_space<semaphore_mem>>)
      %mul3A_369 = arith.constant 4 : i32
      %mul3A_370 = arith.muli %add3A_318, %mul3A_369 : i32
      %add3A_371 = arith.addi %mul3A_4, %mul3A_370 : i32
      %add3A_372 = arith.constant 2 : i32
      %add3A_373 = arith.addi %add3A_371, %add3A_372 : i32
      %dma_start3A_374 = arith.constant 300 : i32
      %dma_start3A_375 = arith.constant 0 : i32
      %dma_start3A_376 = tpu.memref_slice %arg6[%dma_start3A_374, %dma_start3A_375] : memref<800x128xf32, #tpu.memory_space<vmem>> -> memref<50x128xf32, #tpu.memory_space<vmem>>
      %dma_start3A_377 = arith.constant 0 : i32
      %dma_start3A_378 = arith.constant 0 : i32
      %dma_start3A_379 = tpu.memref_slice %arg4[%add3A_373, %dma_start3A_377, %dma_start3A_378] : memref<4096x50x128xf32, #tpu.memory_space<hbm>> -> memref<1x50x128xf32, #tpu.memory_space<hbm>>
      %dma_start3A_380 = tpu.memref_squeeze %dma_start3A_379 : memref<1x50x128xf32, #tpu.memory_space<hbm>> -> memref<50x128xf32, #tpu.memory_space<hbm>>
      %dma_start3A_381 = arith.constant 0 : i32
      %dma_start3A_382 = arith.constant 0 : i32
      %dma_start3A_383 = tpu.memref_slice %arg4[%add3A_373, %dma_start3A_381, %dma_start3A_382] : memref<4096x50x128xf32, #tpu.memory_space<hbm>> -> memref<1x50x128xf32, #tpu.memory_space<hbm>>
      %dma_start3A_384 = tpu.memref_squeeze %dma_start3A_383 : memref<1x50x128xf32, #tpu.memory_space<hbm>> -> memref<50x128xf32, #tpu.memory_space<hbm>>
      %dma_start3A_385 = arith.constant 300 : i32
      %dma_start3A_386 = arith.constant 0 : i32
      %dma_start3A_387 = tpu.memref_slice %arg6[%dma_start3A_385, %dma_start3A_386] : memref<800x128xf32, #tpu.memory_space<vmem>> -> memref<50x128xf32, #tpu.memory_space<vmem>>
      tpu.enqueue_dma source(%dma_start3A_387 : memref<50x128xf32, #tpu.memory_space<vmem>>) target(%dma_start3A_384 : memref<50x128xf32, #tpu.memory_space<hbm>>) target_semaphore(%arg12 : memref<!tpu.dma_semaphore, #tpu.memory_space<semaphore_mem>>)
      %mul3A_388 = arith.constant 4 : i32
      %mul3A_389 = arith.muli %add3A_318, %mul3A_388 : i32
      %add3A_390 = arith.addi %mul3A_4, %mul3A_389 : i32
      %add3A_391 = arith.constant 3 : i32
      %add3A_392 = arith.addi %add3A_390, %add3A_391 : i32
      %dma_start3A_393 = arith.constant 350 : i32
      %dma_start3A_394 = arith.constant 0 : i32
      %dma_start3A_395 = tpu.memref_slice %arg6[%dma_start3A_393, %dma_start3A_394] : memref<800x128xf32, #tpu.memory_space<vmem>> -> memref<50x128xf32, #tpu.memory_space<vmem>>
      %dma_start3A_396 = arith.constant 0 : i32
      %dma_start3A_397 = arith.constant 0 : i32
      %dma_start3A_398 = tpu.memref_slice %arg4[%add3A_392, %dma_start3A_396, %dma_start3A_397] : memref<4096x50x128xf32, #tpu.memory_space<hbm>> -> memref<1x50x128xf32, #tpu.memory_space<hbm>>
      %dma_start3A_399 = tpu.memref_squeeze %dma_start3A_398 : memref<1x50x128xf32, #tpu.memory_space<hbm>> -> memref<50x128xf32, #tpu.memory_space<hbm>>
      %dma_start3A_400 = arith.constant 0 : i32
      %dma_start3A_401 = arith.constant 0 : i32
      %dma_start3A_402 = tpu.memref_slice %arg4[%add3A_392, %dma_start3A_400, %dma_start3A_401] : memref<4096x50x128xf32, #tpu.memory_space<hbm>> -> memref<1x50x128xf32, #tpu.memory_space<hbm>>
      %dma_start3A_403 = tpu.memref_squeeze %dma_start3A_402 : memref<1x50x128xf32, #tpu.memory_space<hbm>> -> memref<50x128xf32, #tpu.memory_space<hbm>>
      %dma_start3A_404 = arith.constant 350 : i32
      %dma_start3A_405 = arith.constant 0 : i32
      %dma_start3A_406 = tpu.memref_slice %arg6[%dma_start3A_404, %dma_start3A_405] : memref<800x128xf32, #tpu.memory_space<vmem>> -> memref<50x128xf32, #tpu.memory_space<vmem>>
      tpu.enqueue_dma source(%dma_start3A_406 : memref<50x128xf32, #tpu.memory_space<vmem>>) target(%dma_start3A_403 : memref<50x128xf32, #tpu.memory_space<hbm>>) target_semaphore(%arg12 : memref<!tpu.dma_semaphore, #tpu.memory_space<semaphore_mem>>)
      %add3A_407 = arith.constant 4 : i32
      %add3A_408 = arith.addi %add3A_318, %add3A_407 : i32
      %sub3A_409 = arith.constant 1 : i32
      %sub3A_410 = arith.subi %add3A_408, %sub3A_409 : i32
      %ge3A_411 = arith.constant 4 : i32
      %ge3A_412 = arith.cmpi sge, %sub3A_410, %ge3A_411 : i32
      %lt3A_413 = arith.constant 32 : i32
      %lt3A_414 = arith.cmpi slt, %sub3A_410, %lt3A_413 : i32
      %and3A_415 = arith.andi %ge3A_412, %lt3A_414 : i1
      %convert_element_type3A_416 = arith.extui %and3A_415 : i1 to i32
      %cond3A_417 = arith.constant 0 : i32
      %cond3A_418 = arith.cmpi ne, %convert_element_type3A_416, %cond3A_417 : i32
      scf.if %cond3A_418 {
        %dma_wait3A_627 = arith.constant 0 : i32
        %dma_wait3A_628 = arith.constant 0 : i32
        %dma_wait3A_629 = tpu.memref_slice %arg6[%dma_wait3A_627, %dma_wait3A_628] : memref<800x128xf32, #tpu.memory_space<vmem>> -> memref<200x128xf32, #tpu.memory_space<vmem>>
        %dma_wait3A_630 = arith.constant 0 : i32
        %dma_wait3A_631 = arith.constant 0 : i32
        %dma_wait3A_632 = tpu.memref_slice %arg3[%dma_wait3A_630, %dma_wait3A_631] : memref<100000x128xf32, #tpu.memory_space<hbm>> -> memref<200x128xf32, #tpu.memory_space<hbm>>
        %dma_wait3A_633 = arith.constant 0 : i32
        %dma_wait3A_634 = arith.constant 0 : i32
        %dma_wait3A_635 = tpu.memref_slice %arg6[%dma_wait3A_633, %dma_wait3A_634] : memref<800x128xf32, #tpu.memory_space<vmem>> -> memref<200x128xf32, #tpu.memory_space<vmem>>
        %dma_wait3A_636 = arith.constant 0 : i32
        %dma_wait3A_637 = arith.constant 0 : i32
        %dma_wait3A_638 = tpu.memref_slice %arg3[%dma_wait3A_636, %dma_wait3A_637] : memref<100000x128xf32, #tpu.memory_space<hbm>> -> memref<200x128xf32, #tpu.memory_space<hbm>>
        tpu.wait_dma2 semaphore(%arg11 : memref<!tpu.dma_semaphore, #tpu.memory_space<semaphore_mem>>) src(%dma_wait3A_638 : memref<200x128xf32, #tpu.memory_space<hbm>>) dst(%dma_wait3A_635 : memref<200x128xf32, #tpu.memory_space<vmem>>)
        %mul3A_639 = arith.constant 200 : i32
        %mul3A_640 = arith.muli %sub3A_410, %mul3A_639 : i32
        %add3A_641 = arith.constant 0 : i32
        %add3A_642 = arith.addi %mul3A_640, %add3A_641 : i32
        %dma_start3A_643 = arith.constant 0 : i32
        %dma_start3A_644 = arith.constant 0 : i32
        %dma_start3A_645 = tpu.memref_slice %arg6[%dma_start3A_643, %dma_start3A_644] : memref<800x128xf32, #tpu.memory_space<vmem>> -> memref<40x128xf32, #tpu.memory_space<vmem>>
        %dma_start3A_646 = tpu.memref_slice %arg5[%add3A_642] : memref<6400xi32, #tpu.memory_space<vmem>> -> memref<40xi32, #tpu.memory_space<vmem>>
        %dma_start3A_647 = arith.constant 0 : i32
        %dma_start3A_648 = arith.constant 0 : i32
        %dma_start3A_649 = tpu.memref_slice %arg3[%dma_start3A_647, %dma_start3A_648] : memref<100000x128xf32, #tpu.memory_space<hbm>> -> memref<100000x128xf32, #tpu.memory_space<hbm>>
        tpu.enqueue_indirect_dma source(%dma_start3A_649 : memref<100000x128xf32, #tpu.memory_space<hbm>>) target(%dma_start3A_645 : memref<40x128xf32, #tpu.memory_space<vmem>>) offsets(%dma_start3A_646 : memref<40xi32, #tpu.memory_space<vmem>>) semaphore(%arg7 : memref<!tpu.dma_semaphore, #tpu.memory_space<semaphore_mem>>)
        %mul3A_650 = arith.constant 200 : i32
        %mul3A_651 = arith.muli %sub3A_410, %mul3A_650 : i32
        %add3A_652 = arith.constant 40 : i32
        %add3A_653 = arith.addi %mul3A_651, %add3A_652 : i32
        %dma_start3A_654 = arith.constant 40 : i32
        %dma_start3A_655 = arith.constant 0 : i32
        %dma_start3A_656 = tpu.memref_slice %arg6[%dma_start3A_654, %dma_start3A_655] : memref<800x128xf32, #tpu.memory_space<vmem>> -> memref<40x128xf32, #tpu.memory_space<vmem>>
        %dma_start3A_657 = tpu.memref_slice %arg5[%add3A_653] : memref<6400xi32, #tpu.memory_space<vmem>> -> memref<40xi32, #tpu.memory_space<vmem>>
        %dma_start3A_658 = arith.constant 0 : i32
        %dma_start3A_659 = arith.constant 0 : i32
        %dma_start3A_660 = tpu.memref_slice %arg3[%dma_start3A_658, %dma_start3A_659] : memref<100000x128xf32, #tpu.memory_space<hbm>> -> memref<100000x128xf32, #tpu.memory_space<hbm>>
        tpu.enqueue_indirect_dma source(%dma_start3A_660 : memref<100000x128xf32, #tpu.memory_space<hbm>>) target(%dma_start3A_656 : memref<40x128xf32, #tpu.memory_space<vmem>>) offsets(%dma_start3A_657 : memref<40xi32, #tpu.memory_space<vmem>>) semaphore(%arg7 : memref<!tpu.dma_semaphore, #tpu.memory_space<semaphore_mem>>)
        %mul3A_661 = arith.constant 200 : i32
        %mul3A_662 = arith.muli %sub3A_410, %mul3A_661 : i32
        %add3A_663 = arith.constant 80 : i32
        %add3A_664 = arith.addi %mul3A_662, %add3A_663 : i32
        %dma_start3A_665 = arith.constant 80 : i32
        %dma_start3A_666 = arith.constant 0 : i32
        %dma_start3A_667 = tpu.memref_slice %arg6[%dma_start3A_665, %dma_start3A_666] : memref<800x128xf32, #tpu.memory_space<vmem>> -> memref<40x128xf32, #tpu.memory_space<vmem>>
        %dma_start3A_668 = tpu.memref_slice %arg5[%add3A_664] : memref<6400xi32, #tpu.memory_space<vmem>> -> memref<40xi32, #tpu.memory_space<vmem>>
        %dma_start3A_669 = arith.constant 0 : i32
        %dma_start3A_670 = arith.constant 0 : i32
        %dma_start3A_671 = tpu.memref_slice %arg3[%dma_start3A_669, %dma_start3A_670] : memref<100000x128xf32, #tpu.memory_space<hbm>> -> memref<100000x128xf32, #tpu.memory_space<hbm>>
        tpu.enqueue_indirect_dma source(%dma_start3A_671 : memref<100000x128xf32, #tpu.memory_space<hbm>>) target(%dma_start3A_667 : memref<40x128xf32, #tpu.memory_space<vmem>>) offsets(%dma_start3A_668 : memref<40xi32, #tpu.memory_space<vmem>>) semaphore(%arg7 : memref<!tpu.dma_semaphore, #tpu.memory_space<semaphore_mem>>)
        %mul3A_672 = arith.constant 200 : i32
        %mul3A_673 = arith.muli %sub3A_410, %mul3A_672 : i32
        %add3A_674 = arith.constant 120 : i32
        %add3A_675 = arith.addi %mul3A_673, %add3A_674 : i32
        %dma_start3A_676 = arith.constant 120 : i32
        %dma_start3A_677 = arith.constant 0 : i32
        %dma_start3A_678 = tpu.memref_slice %arg6[%dma_start3A_676, %dma_start3A_677] : memref<800x128xf32, #tpu.memory_space<vmem>> -> memref<40x128xf32, #tpu.memory_space<vmem>>
        %dma_start3A_679 = tpu.memref_slice %arg5[%add3A_675] : memref<6400xi32, #tpu.memory_space<vmem>> -> memref<40xi32, #tpu.memory_space<vmem>>
        %dma_start3A_680 = arith.constant 0 : i32
        %dma_start3A_681 = arith.constant 0 : i32
        %dma_start3A_682 = tpu.memref_slice %arg3[%dma_start3A_680, %dma_start3A_681] : memref<100000x128xf32, #tpu.memory_space<hbm>> -> memref<100000x128xf32, #tpu.memory_space<hbm>>
        tpu.enqueue_indirect_dma source(%dma_start3A_682 : memref<100000x128xf32, #tpu.memory_space<hbm>>) target(%dma_start3A_678 : memref<40x128xf32, #tpu.memory_space<vmem>>) offsets(%dma_start3A_679 : memref<40xi32, #tpu.memory_space<vmem>>) semaphore(%arg7 : memref<!tpu.dma_semaphore, #tpu.memory_space<semaphore_mem>>)
        %mul3A_683 = arith.constant 200 : i32
        %mul3A_684 = arith.muli %sub3A_410, %mul3A_683 : i32
        %add3A_685 = arith.constant 160 : i32
        %add3A_686 = arith.addi %mul3A_684, %add3A_685 : i32
        %dma_start3A_687 = arith.constant 160 : i32
        %dma_start3A_688 = arith.constant 0 : i32
        %dma_start3A_689 = tpu.memref_slice %arg6[%dma_start3A_687, %dma_start3A_688] : memref<800x128xf32, #tpu.memory_space<vmem>> -> memref<40x128xf32, #tpu.memory_space<vmem>>
        %dma_start3A_690 = tpu.memref_slice %arg5[%add3A_686] : memref<6400xi32, #tpu.memory_space<vmem>> -> memref<40xi32, #tpu.memory_space<vmem>>
        %dma_start3A_691 = arith.constant 0 : i32
        %dma_start3A_692 = arith.constant 0 : i32
        %dma_start3A_693 = tpu.memref_slice %arg3[%dma_start3A_691, %dma_start3A_692] : memref<100000x128xf32, #tpu.memory_space<hbm>> -> memref<100000x128xf32, #tpu.memory_space<hbm>>
        tpu.enqueue_indirect_dma source(%dma_start3A_693 : memref<100000x128xf32, #tpu.memory_space<hbm>>) target(%dma_start3A_689 : memref<40x128xf32, #tpu.memory_space<vmem>>) offsets(%dma_start3A_690 : memref<40xi32, #tpu.memory_space<vmem>>) semaphore(%arg7 : memref<!tpu.dma_semaphore, #tpu.memory_space<semaphore_mem>>)
      } else {
      }
      %mul3A_419 = arith.constant 4 : i32
      %mul3A_420 = arith.muli %scan3A_216, %mul3A_419 : i32
      %add3A_421 = arith.constant 2 : i32
      %add3A_422 = arith.addi %mul3A_420, %add3A_421 : i32
      %dma_wait3A_423 = arith.constant 400 : i32
      %dma_wait3A_424 = arith.constant 0 : i32
      %dma_wait3A_425 = tpu.memref_slice %arg6[%dma_wait3A_423, %dma_wait3A_424] : memref<800x128xf32, #tpu.memory_space<vmem>> -> memref<200x128xf32, #tpu.memory_space<vmem>>
      %dma_wait3A_426 = arith.constant 0 : i32
      %dma_wait3A_427 = arith.constant 0 : i32
      %dma_wait3A_428 = tpu.memref_slice %arg3[%dma_wait3A_426, %dma_wait3A_427] : memref<100000x128xf32, #tpu.memory_space<hbm>> -> memref<200x128xf32, #tpu.memory_space<hbm>>
      %dma_wait3A_429 = arith.constant 400 : i32
      %dma_wait3A_430 = arith.constant 0 : i32
      %dma_wait3A_431 = tpu.memref_slice %arg6[%dma_wait3A_429, %dma_wait3A_430] : memref<800x128xf32, #tpu.memory_space<vmem>> -> memref<200x128xf32, #tpu.memory_space<vmem>>
      %dma_wait3A_432 = arith.constant 0 : i32
      %dma_wait3A_433 = arith.constant 0 : i32
      %dma_wait3A_434 = tpu.memref_slice %arg3[%dma_wait3A_432, %dma_wait3A_433] : memref<100000x128xf32, #tpu.memory_space<hbm>> -> memref<200x128xf32, #tpu.memory_space<hbm>>
      tpu.wait_dma2 semaphore(%arg9 : memref<!tpu.dma_semaphore, #tpu.memory_space<semaphore_mem>>) src(%dma_wait3A_434 : memref<200x128xf32, #tpu.memory_space<hbm>>) dst(%dma_wait3A_431 : memref<200x128xf32, #tpu.memory_space<vmem>>)
      %mul3A_435 = arith.constant 4 : i32
      %mul3A_436 = arith.muli %add3A_422, %mul3A_435 : i32
      %add3A_437 = arith.addi %mul3A_4, %mul3A_436 : i32
      %add3A_438 = arith.constant 0 : i32
      %add3A_439 = arith.addi %add3A_437, %add3A_438 : i32
      %dma_start3A_440 = arith.constant 400 : i32
      %dma_start3A_441 = arith.constant 0 : i32
      %dma_start3A_442 = tpu.memref_slice %arg6[%dma_start3A_440, %dma_start3A_441] : memref<800x128xf32, #tpu.memory_space<vmem>> -> memref<50x128xf32, #tpu.memory_space<vmem>>
      %dma_start3A_443 = arith.constant 0 : i32
      %dma_start3A_444 = arith.constant 0 : i32
      %dma_start3A_445 = tpu.memref_slice %arg4[%add3A_439, %dma_start3A_443, %dma_start3A_444] : memref<4096x50x128xf32, #tpu.memory_space<hbm>> -> memref<1x50x128xf32, #tpu.memory_space<hbm>>
      %dma_start3A_446 = tpu.memref_squeeze %dma_start3A_445 : memref<1x50x128xf32, #tpu.memory_space<hbm>> -> memref<50x128xf32, #tpu.memory_space<hbm>>
      %dma_start3A_447 = arith.constant 0 : i32
      %dma_start3A_448 = arith.constant 0 : i32
      %dma_start3A_449 = tpu.memref_slice %arg4[%add3A_439, %dma_start3A_447, %dma_start3A_448] : memref<4096x50x128xf32, #tpu.memory_space<hbm>> -> memref<1x50x128xf32, #tpu.memory_space<hbm>>
      %dma_start3A_450 = tpu.memref_squeeze %dma_start3A_449 : memref<1x50x128xf32, #tpu.memory_space<hbm>> -> memref<50x128xf32, #tpu.memory_space<hbm>>
      %dma_start3A_451 = arith.constant 400 : i32
      %dma_start3A_452 = arith.constant 0 : i32
      %dma_start3A_453 = tpu.memref_slice %arg6[%dma_start3A_451, %dma_start3A_452] : memref<800x128xf32, #tpu.memory_space<vmem>> -> memref<50x128xf32, #tpu.memory_space<vmem>>
      tpu.enqueue_dma source(%dma_start3A_453 : memref<50x128xf32, #tpu.memory_space<vmem>>) target(%dma_start3A_450 : memref<50x128xf32, #tpu.memory_space<hbm>>) target_semaphore(%arg13 : memref<!tpu.dma_semaphore, #tpu.memory_space<semaphore_mem>>)
      %mul3A_454 = arith.constant 4 : i32
      %mul3A_455 = arith.muli %add3A_422, %mul3A_454 : i32
      %add3A_456 = arith.addi %mul3A_4, %mul3A_455 : i32
      %add3A_457 = arith.constant 1 : i32
      %add3A_458 = arith.addi %add3A_456, %add3A_457 : i32
      %dma_start3A_459 = arith.constant 450 : i32
      %dma_start3A_460 = arith.constant 0 : i32
      %dma_start3A_461 = tpu.memref_slice %arg6[%dma_start3A_459, %dma_start3A_460] : memref<800x128xf32, #tpu.memory_space<vmem>> -> memref<50x128xf32, #tpu.memory_space<vmem>>
      %dma_start3A_462 = arith.constant 0 : i32
      %dma_start3A_463 = arith.constant 0 : i32
      %dma_start3A_464 = tpu.memref_slice %arg4[%add3A_458, %dma_start3A_462, %dma_start3A_463] : memref<4096x50x128xf32, #tpu.memory_space<hbm>> -> memref<1x50x128xf32, #tpu.memory_space<hbm>>
      %dma_start3A_465 = tpu.memref_squeeze %dma_start3A_464 : memref<1x50x128xf32, #tpu.memory_space<hbm>> -> memref<50x128xf32, #tpu.memory_space<hbm>>
      %dma_start3A_466 = arith.constant 0 : i32
      %dma_start3A_467 = arith.constant 0 : i32
      %dma_start3A_468 = tpu.memref_slice %arg4[%add3A_458, %dma_start3A_466, %dma_start3A_467] : memref<4096x50x128xf32, #tpu.memory_space<hbm>> -> memref<1x50x128xf32, #tpu.memory_space<hbm>>
      %dma_start3A_469 = tpu.memref_squeeze %dma_start3A_468 : memref<1x50x128xf32, #tpu.memory_space<hbm>> -> memref<50x128xf32, #tpu.memory_space<hbm>>
      %dma_start3A_470 = arith.constant 450 : i32
      %dma_start3A_471 = arith.constant 0 : i32
      %dma_start3A_472 = tpu.memref_slice %arg6[%dma_start3A_470, %dma_start3A_471] : memref<800x128xf32, #tpu.memory_space<vmem>> -> memref<50x128xf32, #tpu.memory_space<vmem>>
      tpu.enqueue_dma source(%dma_start3A_472 : memref<50x128xf32, #tpu.memory_space<vmem>>) target(%dma_start3A_469 : memref<50x128xf32, #tpu.memory_space<hbm>>) target_semaphore(%arg13 : memref<!tpu.dma_semaphore, #tpu.memory_space<semaphore_mem>>)
      %mul3A_473 = arith.constant 4 : i32
      %mul3A_474 = arith.muli %add3A_422, %mul3A_473 : i32
      %add3A_475 = arith.addi %mul3A_4, %mul3A_474 : i32
      %add3A_476 = arith.constant 2 : i32
      %add3A_477 = arith.addi %add3A_475, %add3A_476 : i32
      %dma_start3A_478 = arith.constant 500 : i32
      %dma_start3A_479 = arith.constant 0 : i32
      %dma_start3A_480 = tpu.memref_slice %arg6[%dma_start3A_478, %dma_start3A_479] : memref<800x128xf32, #tpu.memory_space<vmem>> -> memref<50x128xf32, #tpu.memory_space<vmem>>
      %dma_start3A_481 = arith.constant 0 : i32
      %dma_start3A_482 = arith.constant 0 : i32
      %dma_start3A_483 = tpu.memref_slice %arg4[%add3A_477, %dma_start3A_481, %dma_start3A_482] : memref<4096x50x128xf32, #tpu.memory_space<hbm>> -> memref<1x50x128xf32, #tpu.memory_space<hbm>>
      %dma_start3A_484 = tpu.memref_squeeze %dma_start3A_483 : memref<1x50x128xf32, #tpu.memory_space<hbm>> -> memref<50x128xf32, #tpu.memory_space<hbm>>
      %dma_start3A_485 = arith.constant 0 : i32
      %dma_start3A_486 = arith.constant 0 : i32
      %dma_start3A_487 = tpu.memref_slice %arg4[%add3A_477, %dma_start3A_485, %dma_start3A_486] : memref<4096x50x128xf32, #tpu.memory_space<hbm>> -> memref<1x50x128xf32, #tpu.memory_space<hbm>>
      %dma_start3A_488 = tpu.memref_squeeze %dma_start3A_487 : memref<1x50x128xf32, #tpu.memory_space<hbm>> -> memref<50x128xf32, #tpu.memory_space<hbm>>
      %dma_start3A_489 = arith.constant 500 : i32
      %dma_start3A_490 = arith.constant 0 : i32
      %dma_start3A_491 = tpu.memref_slice %arg6[%dma_start3A_489, %dma_start3A_490] : memref<800x128xf32, #tpu.memory_space<vmem>> -> memref<50x128xf32, #tpu.memory_space<vmem>>
      tpu.enqueue_dma source(%dma_start3A_491 : memref<50x128xf32, #tpu.memory_space<vmem>>) target(%dma_start3A_488 : memref<50x128xf32, #tpu.memory_space<hbm>>) target_semaphore(%arg13 : memref<!tpu.dma_semaphore, #tpu.memory_space<semaphore_mem>>)
      %mul3A_492 = arith.constant 4 : i32
      %mul3A_493 = arith.muli %add3A_422, %mul3A_492 : i32
      %add3A_494 = arith.addi %mul3A_4, %mul3A_493 : i32
      %add3A_495 = arith.constant 3 : i32
      %add3A_496 = arith.addi %add3A_494, %add3A_495 : i32
      %dma_start3A_497 = arith.constant 550 : i32
      %dma_start3A_498 = arith.constant 0 : i32
      %dma_start3A_499 = tpu.memref_slice %arg6[%dma_start3A_497, %dma_start3A_498] : memref<800x128xf32, #tpu.memory_space<vmem>> -> memref<50x128xf32, #tpu.memory_space<vmem>>
      %dma_start3A_500 = arith.constant 0 : i32
      %dma_start3A_501 = arith.constant 0 : i32
      %dma_start3A_502 = tpu.memref_slice %arg4[%add3A_496, %dma_start3A_500, %dma_start3A_501] : memref<4096x50x128xf32, #tpu.memory_space<hbm>> -> memref<1x50x128xf32, #tpu.memory_space<hbm>>
      %dma_start3A_503 = tpu.memref_squeeze %dma_start3A_502 : memref<1x50x128xf32, #tpu.memory_space<hbm>> -> memref<50x128xf32, #tpu.memory_space<hbm>>
      %dma_start3A_504 = arith.constant 0 : i32
      %dma_start3A_505 = arith.constant 0 : i32
      %dma_start3A_506 = tpu.memref_slice %arg4[%add3A_496, %dma_start3A_504, %dma_start3A_505] : memref<4096x50x128xf32, #tpu.memory_space<hbm>> -> memref<1x50x128xf32, #tpu.memory_space<hbm>>
      %dma_start3A_507 = tpu.memref_squeeze %dma_start3A_506 : memref<1x50x128xf32, #tpu.memory_space<hbm>> -> memref<50x128xf32, #tpu.memory_space<hbm>>
      %dma_start3A_508 = arith.constant 550 : i32
      %dma_start3A_509 = arith.constant 0 : i32
      %dma_start3A_510 = tpu.memref_slice %arg6[%dma_start3A_508, %dma_start3A_509] : memref<800x128xf32, #tpu.memory_space<vmem>> -> memref<50x128xf32, #tpu.memory_space<vmem>>
      tpu.enqueue_dma source(%dma_start3A_510 : memref<50x128xf32, #tpu.memory_space<vmem>>) target(%dma_start3A_507 : memref<50x128xf32, #tpu.memory_space<hbm>>) target_semaphore(%arg13 : memref<!tpu.dma_semaphore, #tpu.memory_space<semaphore_mem>>)
      %add3A_511 = arith.constant 4 : i32
      %add3A_512 = arith.addi %add3A_422, %add3A_511 : i32
      %sub3A_513 = arith.constant 1 : i32
      %sub3A_514 = arith.subi %add3A_512, %sub3A_513 : i32
      %ge3A_515 = arith.constant 4 : i32
      %ge3A_516 = arith.cmpi sge, %sub3A_514, %ge3A_515 : i32
      %lt3A_517 = arith.constant 32 : i32
      %lt3A_518 = arith.cmpi slt, %sub3A_514, %lt3A_517 : i32
      %and3A_519 = arith.andi %ge3A_516, %lt3A_518 : i1
      %convert_element_type3A_520 = arith.extui %and3A_519 : i1 to i32
      %cond3A_521 = arith.constant 0 : i32
      %cond3A_522 = arith.cmpi ne, %convert_element_type3A_520, %cond3A_521 : i32
      scf.if %cond3A_522 {
        %dma_wait3A_627 = arith.constant 200 : i32
        %dma_wait3A_628 = arith.constant 0 : i32
        %dma_wait3A_629 = tpu.memref_slice %arg6[%dma_wait3A_627, %dma_wait3A_628] : memref<800x128xf32, #tpu.memory_space<vmem>> -> memref<200x128xf32, #tpu.memory_space<vmem>>
        %dma_wait3A_630 = arith.constant 0 : i32
        %dma_wait3A_631 = arith.constant 0 : i32
        %dma_wait3A_632 = tpu.memref_slice %arg3[%dma_wait3A_630, %dma_wait3A_631] : memref<100000x128xf32, #tpu.memory_space<hbm>> -> memref<200x128xf32, #tpu.memory_space<hbm>>
        %dma_wait3A_633 = arith.constant 200 : i32
        %dma_wait3A_634 = arith.constant 0 : i32
        %dma_wait3A_635 = tpu.memref_slice %arg6[%dma_wait3A_633, %dma_wait3A_634] : memref<800x128xf32, #tpu.memory_space<vmem>> -> memref<200x128xf32, #tpu.memory_space<vmem>>
        %dma_wait3A_636 = arith.constant 0 : i32
        %dma_wait3A_637 = arith.constant 0 : i32
        %dma_wait3A_638 = tpu.memref_slice %arg3[%dma_wait3A_636, %dma_wait3A_637] : memref<100000x128xf32, #tpu.memory_space<hbm>> -> memref<200x128xf32, #tpu.memory_space<hbm>>
        tpu.wait_dma2 semaphore(%arg12 : memref<!tpu.dma_semaphore, #tpu.memory_space<semaphore_mem>>) src(%dma_wait3A_638 : memref<200x128xf32, #tpu.memory_space<hbm>>) dst(%dma_wait3A_635 : memref<200x128xf32, #tpu.memory_space<vmem>>)
        %mul3A_639 = arith.constant 200 : i32
        %mul3A_640 = arith.muli %sub3A_514, %mul3A_639 : i32
        %add3A_641 = arith.constant 0 : i32
        %add3A_642 = arith.addi %mul3A_640, %add3A_641 : i32
        %dma_start3A_643 = arith.constant 200 : i32
        %dma_start3A_644 = arith.constant 0 : i32
        %dma_start3A_645 = tpu.memref_slice %arg6[%dma_start3A_643, %dma_start3A_644] : memref<800x128xf32, #tpu.memory_space<vmem>> -> memref<40x128xf32, #tpu.memory_space<vmem>>
        %dma_start3A_646 = tpu.memref_slice %arg5[%add3A_642] : memref<6400xi32, #tpu.memory_space<vmem>> -> memref<40xi32, #tpu.memory_space<vmem>>
        %dma_start3A_647 = arith.constant 0 : i32
        %dma_start3A_648 = arith.constant 0 : i32
        %dma_start3A_649 = tpu.memref_slice %arg3[%dma_start3A_647, %dma_start3A_648] : memref<100000x128xf32, #tpu.memory_space<hbm>> -> memref<100000x128xf32, #tpu.memory_space<hbm>>
        tpu.enqueue_indirect_dma source(%dma_start3A_649 : memref<100000x128xf32, #tpu.memory_space<hbm>>) target(%dma_start3A_645 : memref<40x128xf32, #tpu.memory_space<vmem>>) offsets(%dma_start3A_646 : memref<40xi32, #tpu.memory_space<vmem>>) semaphore(%arg8 : memref<!tpu.dma_semaphore, #tpu.memory_space<semaphore_mem>>)
        %mul3A_650 = arith.constant 200 : i32
        %mul3A_651 = arith.muli %sub3A_514, %mul3A_650 : i32
        %add3A_652 = arith.constant 40 : i32
        %add3A_653 = arith.addi %mul3A_651, %add3A_652 : i32
        %dma_start3A_654 = arith.constant 240 : i32
        %dma_start3A_655 = arith.constant 0 : i32
        %dma_start3A_656 = tpu.memref_slice %arg6[%dma_start3A_654, %dma_start3A_655] : memref<800x128xf32, #tpu.memory_space<vmem>> -> memref<40x128xf32, #tpu.memory_space<vmem>>
        %dma_start3A_657 = tpu.memref_slice %arg5[%add3A_653] : memref<6400xi32, #tpu.memory_space<vmem>> -> memref<40xi32, #tpu.memory_space<vmem>>
        %dma_start3A_658 = arith.constant 0 : i32
        %dma_start3A_659 = arith.constant 0 : i32
        %dma_start3A_660 = tpu.memref_slice %arg3[%dma_start3A_658, %dma_start3A_659] : memref<100000x128xf32, #tpu.memory_space<hbm>> -> memref<100000x128xf32, #tpu.memory_space<hbm>>
        tpu.enqueue_indirect_dma source(%dma_start3A_660 : memref<100000x128xf32, #tpu.memory_space<hbm>>) target(%dma_start3A_656 : memref<40x128xf32, #tpu.memory_space<vmem>>) offsets(%dma_start3A_657 : memref<40xi32, #tpu.memory_space<vmem>>) semaphore(%arg8 : memref<!tpu.dma_semaphore, #tpu.memory_space<semaphore_mem>>)
        %mul3A_661 = arith.constant 200 : i32
        %mul3A_662 = arith.muli %sub3A_514, %mul3A_661 : i32
        %add3A_663 = arith.constant 80 : i32
        %add3A_664 = arith.addi %mul3A_662, %add3A_663 : i32
        %dma_start3A_665 = arith.constant 280 : i32
        %dma_start3A_666 = arith.constant 0 : i32
        %dma_start3A_667 = tpu.memref_slice %arg6[%dma_start3A_665, %dma_start3A_666] : memref<800x128xf32, #tpu.memory_space<vmem>> -> memref<40x128xf32, #tpu.memory_space<vmem>>
        %dma_start3A_668 = tpu.memref_slice %arg5[%add3A_664] : memref<6400xi32, #tpu.memory_space<vmem>> -> memref<40xi32, #tpu.memory_space<vmem>>
        %dma_start3A_669 = arith.constant 0 : i32
        %dma_start3A_670 = arith.constant 0 : i32
        %dma_start3A_671 = tpu.memref_slice %arg3[%dma_start3A_669, %dma_start3A_670] : memref<100000x128xf32, #tpu.memory_space<hbm>> -> memref<100000x128xf32, #tpu.memory_space<hbm>>
        tpu.enqueue_indirect_dma source(%dma_start3A_671 : memref<100000x128xf32, #tpu.memory_space<hbm>>) target(%dma_start3A_667 : memref<40x128xf32, #tpu.memory_space<vmem>>) offsets(%dma_start3A_668 : memref<40xi32, #tpu.memory_space<vmem>>) semaphore(%arg8 : memref<!tpu.dma_semaphore, #tpu.memory_space<semaphore_mem>>)
        %mul3A_672 = arith.constant 200 : i32
        %mul3A_673 = arith.muli %sub3A_514, %mul3A_672 : i32
        %add3A_674 = arith.constant 120 : i32
        %add3A_675 = arith.addi %mul3A_673, %add3A_674 : i32
        %dma_start3A_676 = arith.constant 320 : i32
        %dma_start3A_677 = arith.constant 0 : i32
        %dma_start3A_678 = tpu.memref_slice %arg6[%dma_start3A_676, %dma_start3A_677] : memref<800x128xf32, #tpu.memory_space<vmem>> -> memref<40x128xf32, #tpu.memory_space<vmem>>
        %dma_start3A_679 = tpu.memref_slice %arg5[%add3A_675] : memref<6400xi32, #tpu.memory_space<vmem>> -> memref<40xi32, #tpu.memory_space<vmem>>
        %dma_start3A_680 = arith.constant 0 : i32
        %dma_start3A_681 = arith.constant 0 : i32
        %dma_start3A_682 = tpu.memref_slice %arg3[%dma_start3A_680, %dma_start3A_681] : memref<100000x128xf32, #tpu.memory_space<hbm>> -> memref<100000x128xf32, #tpu.memory_space<hbm>>
        tpu.enqueue_indirect_dma source(%dma_start3A_682 : memref<100000x128xf32, #tpu.memory_space<hbm>>) target(%dma_start3A_678 : memref<40x128xf32, #tpu.memory_space<vmem>>) offsets(%dma_start3A_679 : memref<40xi32, #tpu.memory_space<vmem>>) semaphore(%arg8 : memref<!tpu.dma_semaphore, #tpu.memory_space<semaphore_mem>>)
        %mul3A_683 = arith.constant 200 : i32
        %mul3A_684 = arith.muli %sub3A_514, %mul3A_683 : i32
        %add3A_685 = arith.constant 160 : i32
        %add3A_686 = arith.addi %mul3A_684, %add3A_685 : i32
        %dma_start3A_687 = arith.constant 360 : i32
        %dma_start3A_688 = arith.constant 0 : i32
        %dma_start3A_689 = tpu.memref_slice %arg6[%dma_start3A_687, %dma_start3A_688] : memref<800x128xf32, #tpu.memory_space<vmem>> -> memref<40x128xf32, #tpu.memory_space<vmem>>
        %dma_start3A_690 = tpu.memref_slice %arg5[%add3A_686] : memref<6400xi32, #tpu.memory_space<vmem>> -> memref<40xi32, #tpu.memory_space<vmem>>
        %dma_start3A_691 = arith.constant 0 : i32
        %dma_start3A_692 = arith.constant 0 : i32
        %dma_start3A_693 = tpu.memref_slice %arg3[%dma_start3A_691, %dma_start3A_692] : memref<100000x128xf32, #tpu.memory_space<hbm>> -> memref<100000x128xf32, #tpu.memory_space<hbm>>
        tpu.enqueue_indirect_dma source(%dma_start3A_693 : memref<100000x128xf32, #tpu.memory_space<hbm>>) target(%dma_start3A_689 : memref<40x128xf32, #tpu.memory_space<vmem>>) offsets(%dma_start3A_690 : memref<40xi32, #tpu.memory_space<vmem>>) semaphore(%arg8 : memref<!tpu.dma_semaphore, #tpu.memory_space<semaphore_mem>>)
      } else {
      }
      %mul3A_523 = arith.constant 4 : i32
      %mul3A_524 = arith.muli %scan3A_216, %mul3A_523 : i32
      %add3A_525 = arith.constant 3 : i32
      %add3A_526 = arith.addi %mul3A_524, %add3A_525 : i32
      %dma_wait3A_527 = arith.constant 600 : i32
      %dma_wait3A_528 = arith.constant 0 : i32
      %dma_wait3A_529 = tpu.memref_slice %arg6[%dma_wait3A_527, %dma_wait3A_528] : memref<800x128xf32, #tpu.memory_space<vmem>> -> memref<200x128xf32, #tpu.memory_space<vmem>>
      %dma_wait3A_530 = arith.constant 0 : i32
      %dma_wait3A_531 = arith.constant 0 : i32
      %dma_wait3A_532 = tpu.memref_slice %arg3[%dma_wait3A_530, %dma_wait3A_531] : memref<100000x128xf32, #tpu.memory_space<hbm>> -> memref<200x128xf32, #tpu.memory_space<hbm>>
      %dma_wait3A_533 = arith.constant 600 : i32
      %dma_wait3A_534 = arith.constant 0 : i32
      %dma_wait3A_535 = tpu.memref_slice %arg6[%dma_wait3A_533, %dma_wait3A_534] : memref<800x128xf32, #tpu.memory_space<vmem>> -> memref<200x128xf32, #tpu.memory_space<vmem>>
      %dma_wait3A_536 = arith.constant 0 : i32
      %dma_wait3A_537 = arith.constant 0 : i32
      %dma_wait3A_538 = tpu.memref_slice %arg3[%dma_wait3A_536, %dma_wait3A_537] : memref<100000x128xf32, #tpu.memory_space<hbm>> -> memref<200x128xf32, #tpu.memory_space<hbm>>
      tpu.wait_dma2 semaphore(%arg10 : memref<!tpu.dma_semaphore, #tpu.memory_space<semaphore_mem>>) src(%dma_wait3A_538 : memref<200x128xf32, #tpu.memory_space<hbm>>) dst(%dma_wait3A_535 : memref<200x128xf32, #tpu.memory_space<vmem>>)
      %mul3A_539 = arith.constant 4 : i32
      %mul3A_540 = arith.muli %add3A_526, %mul3A_539 : i32
      %add3A_541 = arith.addi %mul3A_4, %mul3A_540 : i32
      %add3A_542 = arith.constant 0 : i32
      %add3A_543 = arith.addi %add3A_541, %add3A_542 : i32
      %dma_start3A_544 = arith.constant 600 : i32
      %dma_start3A_545 = arith.constant 0 : i32
      %dma_start3A_546 = tpu.memref_slice %arg6[%dma_start3A_544, %dma_start3A_545] : memref<800x128xf32, #tpu.memory_space<vmem>> -> memref<50x128xf32, #tpu.memory_space<vmem>>
      %dma_start3A_547 = arith.constant 0 : i32
      %dma_start3A_548 = arith.constant 0 : i32
      %dma_start3A_549 = tpu.memref_slice %arg4[%add3A_543, %dma_start3A_547, %dma_start3A_548] : memref<4096x50x128xf32, #tpu.memory_space<hbm>> -> memref<1x50x128xf32, #tpu.memory_space<hbm>>
      %dma_start3A_550 = tpu.memref_squeeze %dma_start3A_549 : memref<1x50x128xf32, #tpu.memory_space<hbm>> -> memref<50x128xf32, #tpu.memory_space<hbm>>
      %dma_start3A_551 = arith.constant 0 : i32
      %dma_start3A_552 = arith.constant 0 : i32
      %dma_start3A_553 = tpu.memref_slice %arg4[%add3A_543, %dma_start3A_551, %dma_start3A_552] : memref<4096x50x128xf32, #tpu.memory_space<hbm>> -> memref<1x50x128xf32, #tpu.memory_space<hbm>>
      %dma_start3A_554 = tpu.memref_squeeze %dma_start3A_553 : memref<1x50x128xf32, #tpu.memory_space<hbm>> -> memref<50x128xf32, #tpu.memory_space<hbm>>
      %dma_start3A_555 = arith.constant 600 : i32
      %dma_start3A_556 = arith.constant 0 : i32
      %dma_start3A_557 = tpu.memref_slice %arg6[%dma_start3A_555, %dma_start3A_556] : memref<800x128xf32, #tpu.memory_space<vmem>> -> memref<50x128xf32, #tpu.memory_space<vmem>>
      tpu.enqueue_dma source(%dma_start3A_557 : memref<50x128xf32, #tpu.memory_space<vmem>>) target(%dma_start3A_554 : memref<50x128xf32, #tpu.memory_space<hbm>>) target_semaphore(%arg14 : memref<!tpu.dma_semaphore, #tpu.memory_space<semaphore_mem>>)
      %mul3A_558 = arith.constant 4 : i32
      %mul3A_559 = arith.muli %add3A_526, %mul3A_558 : i32
      %add3A_560 = arith.addi %mul3A_4, %mul3A_559 : i32
      %add3A_561 = arith.constant 1 : i32
      %add3A_562 = arith.addi %add3A_560, %add3A_561 : i32
      %dma_start3A_563 = arith.constant 650 : i32
      %dma_start3A_564 = arith.constant 0 : i32
      %dma_start3A_565 = tpu.memref_slice %arg6[%dma_start3A_563, %dma_start3A_564] : memref<800x128xf32, #tpu.memory_space<vmem>> -> memref<50x128xf32, #tpu.memory_space<vmem>>
      %dma_start3A_566 = arith.constant 0 : i32
      %dma_start3A_567 = arith.constant 0 : i32
      %dma_start3A_568 = tpu.memref_slice %arg4[%add3A_562, %dma_start3A_566, %dma_start3A_567] : memref<4096x50x128xf32, #tpu.memory_space<hbm>> -> memref<1x50x128xf32, #tpu.memory_space<hbm>>
      %dma_start3A_569 = tpu.memref_squeeze %dma_start3A_568 : memref<1x50x128xf32, #tpu.memory_space<hbm>> -> memref<50x128xf32, #tpu.memory_space<hbm>>
      %dma_start3A_570 = arith.constant 0 : i32
      %dma_start3A_571 = arith.constant 0 : i32
      %dma_start3A_572 = tpu.memref_slice %arg4[%add3A_562, %dma_start3A_570, %dma_start3A_571] : memref<4096x50x128xf32, #tpu.memory_space<hbm>> -> memref<1x50x128xf32, #tpu.memory_space<hbm>>
      %dma_start3A_573 = tpu.memref_squeeze %dma_start3A_572 : memref<1x50x128xf32, #tpu.memory_space<hbm>> -> memref<50x128xf32, #tpu.memory_space<hbm>>
      %dma_start3A_574 = arith.constant 650 : i32
      %dma_start3A_575 = arith.constant 0 : i32
      %dma_start3A_576 = tpu.memref_slice %arg6[%dma_start3A_574, %dma_start3A_575] : memref<800x128xf32, #tpu.memory_space<vmem>> -> memref<50x128xf32, #tpu.memory_space<vmem>>
      tpu.enqueue_dma source(%dma_start3A_576 : memref<50x128xf32, #tpu.memory_space<vmem>>) target(%dma_start3A_573 : memref<50x128xf32, #tpu.memory_space<hbm>>) target_semaphore(%arg14 : memref<!tpu.dma_semaphore, #tpu.memory_space<semaphore_mem>>)
      %mul3A_577 = arith.constant 4 : i32
      %mul3A_578 = arith.muli %add3A_526, %mul3A_577 : i32
      %add3A_579 = arith.addi %mul3A_4, %mul3A_578 : i32
      %add3A_580 = arith.constant 2 : i32
      %add3A_581 = arith.addi %add3A_579, %add3A_580 : i32
      %dma_start3A_582 = arith.constant 700 : i32
      %dma_start3A_583 = arith.constant 0 : i32
      %dma_start3A_584 = tpu.memref_slice %arg6[%dma_start3A_582, %dma_start3A_583] : memref<800x128xf32, #tpu.memory_space<vmem>> -> memref<50x128xf32, #tpu.memory_space<vmem>>
      %dma_start3A_585 = arith.constant 0 : i32
      %dma_start3A_586 = arith.constant 0 : i32
      %dma_start3A_587 = tpu.memref_slice %arg4[%add3A_581, %dma_start3A_585, %dma_start3A_586] : memref<4096x50x128xf32, #tpu.memory_space<hbm>> -> memref<1x50x128xf32, #tpu.memory_space<hbm>>
      %dma_start3A_588 = tpu.memref_squeeze %dma_start3A_587 : memref<1x50x128xf32, #tpu.memory_space<hbm>> -> memref<50x128xf32, #tpu.memory_space<hbm>>
      %dma_start3A_589 = arith.constant 0 : i32
      %dma_start3A_590 = arith.constant 0 : i32
      %dma_start3A_591 = tpu.memref_slice %arg4[%add3A_581, %dma_start3A_589, %dma_start3A_590] : memref<4096x50x128xf32, #tpu.memory_space<hbm>> -> memref<1x50x128xf32, #tpu.memory_space<hbm>>
      %dma_start3A_592 = tpu.memref_squeeze %dma_start3A_591 : memref<1x50x128xf32, #tpu.memory_space<hbm>> -> memref<50x128xf32, #tpu.memory_space<hbm>>
      %dma_start3A_593 = arith.constant 700 : i32
      %dma_start3A_594 = arith.constant 0 : i32
      %dma_start3A_595 = tpu.memref_slice %arg6[%dma_start3A_593, %dma_start3A_594] : memref<800x128xf32, #tpu.memory_space<vmem>> -> memref<50x128xf32, #tpu.memory_space<vmem>>
      tpu.enqueue_dma source(%dma_start3A_595 : memref<50x128xf32, #tpu.memory_space<vmem>>) target(%dma_start3A_592 : memref<50x128xf32, #tpu.memory_space<hbm>>) target_semaphore(%arg14 : memref<!tpu.dma_semaphore, #tpu.memory_space<semaphore_mem>>)
      %mul3A_596 = arith.constant 4 : i32
      %mul3A_597 = arith.muli %add3A_526, %mul3A_596 : i32
      %add3A_598 = arith.addi %mul3A_4, %mul3A_597 : i32
      %add3A_599 = arith.constant 3 : i32
      %add3A_600 = arith.addi %add3A_598, %add3A_599 : i32
      %dma_start3A_601 = arith.constant 750 : i32
      %dma_start3A_602 = arith.constant 0 : i32
      %dma_start3A_603 = tpu.memref_slice %arg6[%dma_start3A_601, %dma_start3A_602] : memref<800x128xf32, #tpu.memory_space<vmem>> -> memref<50x128xf32, #tpu.memory_space<vmem>>
      %dma_start3A_604 = arith.constant 0 : i32
      %dma_start3A_605 = arith.constant 0 : i32
      %dma_start3A_606 = tpu.memref_slice %arg4[%add3A_600, %dma_start3A_604, %dma_start3A_605] : memref<4096x50x128xf32, #tpu.memory_space<hbm>> -> memref<1x50x128xf32, #tpu.memory_space<hbm>>
      %dma_start3A_607 = tpu.memref_squeeze %dma_start3A_606 : memref<1x50x128xf32, #tpu.memory_space<hbm>> -> memref<50x128xf32, #tpu.memory_space<hbm>>
      %dma_start3A_608 = arith.constant 0 : i32
      %dma_start3A_609 = arith.constant 0 : i32
      %dma_start3A_610 = tpu.memref_slice %arg4[%add3A_600, %dma_start3A_608, %dma_start3A_609] : memref<4096x50x128xf32, #tpu.memory_space<hbm>> -> memref<1x50x128xf32, #tpu.memory_space<hbm>>
      %dma_start3A_611 = tpu.memref_squeeze %dma_start3A_610 : memref<1x50x128xf32, #tpu.memory_space<hbm>> -> memref<50x128xf32, #tpu.memory_space<hbm>>
      %dma_start3A_612 = arith.constant 750 : i32
      %dma_start3A_613 = arith.constant 0 : i32
      %dma_start3A_614 = tpu.memref_slice %arg6[%dma_start3A_612, %dma_start3A_613] : memref<800x128xf32, #tpu.memory_space<vmem>> -> memref<50x128xf32, #tpu.memory_space<vmem>>
      tpu.enqueue_dma source(%dma_start3A_614 : memref<50x128xf32, #tpu.memory_space<vmem>>) target(%dma_start3A_611 : memref<50x128xf32, #tpu.memory_space<hbm>>) target_semaphore(%arg14 : memref<!tpu.dma_semaphore, #tpu.memory_space<semaphore_mem>>)
      %add3A_615 = arith.constant 4 : i32
      %add3A_616 = arith.addi %add3A_526, %add3A_615 : i32
      %sub3A_617 = arith.constant 1 : i32
      %sub3A_618 = arith.subi %add3A_616, %sub3A_617 : i32
      %ge3A_619 = arith.constant 4 : i32
      %ge3A_620 = arith.cmpi sge, %sub3A_618, %ge3A_619 : i32
      %lt3A_621 = arith.constant 32 : i32
      %lt3A_622 = arith.cmpi slt, %sub3A_618, %lt3A_621 : i32
      %and3A_623 = arith.andi %ge3A_620, %lt3A_622 : i1
      %convert_element_type3A_624 = arith.extui %and3A_623 : i1 to i32
      %cond3A_625 = arith.constant 0 : i32
      %cond3A_626 = arith.cmpi ne, %convert_element_type3A_624, %cond3A_625 : i32
      scf.if %cond3A_626 {
        %dma_wait3A_627 = arith.constant 400 : i32
        %dma_wait3A_628 = arith.constant 0 : i32
        %dma_wait3A_629 = tpu.memref_slice %arg6[%dma_wait3A_627, %dma_wait3A_628] : memref<800x128xf32, #tpu.memory_space<vmem>> -> memref<200x128xf32, #tpu.memory_space<vmem>>
        %dma_wait3A_630 = arith.constant 0 : i32
        %dma_wait3A_631 = arith.constant 0 : i32
        %dma_wait3A_632 = tpu.memref_slice %arg3[%dma_wait3A_630, %dma_wait3A_631] : memref<100000x128xf32, #tpu.memory_space<hbm>> -> memref<200x128xf32, #tpu.memory_space<hbm>>
        %dma_wait3A_633 = arith.constant 400 : i32
        %dma_wait3A_634 = arith.constant 0 : i32
        %dma_wait3A_635 = tpu.memref_slice %arg6[%dma_wait3A_633, %dma_wait3A_634] : memref<800x128xf32, #tpu.memory_space<vmem>> -> memref<200x128xf32, #tpu.memory_space<vmem>>
        %dma_wait3A_636 = arith.constant 0 : i32
        %dma_wait3A_637 = arith.constant 0 : i32
        %dma_wait3A_638 = tpu.memref_slice %arg3[%dma_wait3A_636, %dma_wait3A_637] : memref<100000x128xf32, #tpu.memory_space<hbm>> -> memref<200x128xf32, #tpu.memory_space<hbm>>
        tpu.wait_dma2 semaphore(%arg13 : memref<!tpu.dma_semaphore, #tpu.memory_space<semaphore_mem>>) src(%dma_wait3A_638 : memref<200x128xf32, #tpu.memory_space<hbm>>) dst(%dma_wait3A_635 : memref<200x128xf32, #tpu.memory_space<vmem>>)
        %mul3A_639 = arith.constant 200 : i32
        %mul3A_640 = arith.muli %sub3A_618, %mul3A_639 : i32
        %add3A_641 = arith.constant 0 : i32
        %add3A_642 = arith.addi %mul3A_640, %add3A_641 : i32
        %dma_start3A_643 = arith.constant 400 : i32
        %dma_start3A_644 = arith.constant 0 : i32
        %dma_start3A_645 = tpu.memref_slice %arg6[%dma_start3A_643, %dma_start3A_644] : memref<800x128xf32, #tpu.memory_space<vmem>> -> memref<40x128xf32, #tpu.memory_space<vmem>>
        %dma_start3A_646 = tpu.memref_slice %arg5[%add3A_642] : memref<6400xi32, #tpu.memory_space<vmem>> -> memref<40xi32, #tpu.memory_space<vmem>>
        %dma_start3A_647 = arith.constant 0 : i32
        %dma_start3A_648 = arith.constant 0 : i32
        %dma_start3A_649 = tpu.memref_slice %arg3[%dma_start3A_647, %dma_start3A_648] : memref<100000x128xf32, #tpu.memory_space<hbm>> -> memref<100000x128xf32, #tpu.memory_space<hbm>>
        tpu.enqueue_indirect_dma source(%dma_start3A_649 : memref<100000x128xf32, #tpu.memory_space<hbm>>) target(%dma_start3A_645 : memref<40x128xf32, #tpu.memory_space<vmem>>) offsets(%dma_start3A_646 : memref<40xi32, #tpu.memory_space<vmem>>) semaphore(%arg9 : memref<!tpu.dma_semaphore, #tpu.memory_space<semaphore_mem>>)
        %mul3A_650 = arith.constant 200 : i32
        %mul3A_651 = arith.muli %sub3A_618, %mul3A_650 : i32
        %add3A_652 = arith.constant 40 : i32
        %add3A_653 = arith.addi %mul3A_651, %add3A_652 : i32
        %dma_start3A_654 = arith.constant 440 : i32
        %dma_start3A_655 = arith.constant 0 : i32
        %dma_start3A_656 = tpu.memref_slice %arg6[%dma_start3A_654, %dma_start3A_655] : memref<800x128xf32, #tpu.memory_space<vmem>> -> memref<40x128xf32, #tpu.memory_space<vmem>>
        %dma_start3A_657 = tpu.memref_slice %arg5[%add3A_653] : memref<6400xi32, #tpu.memory_space<vmem>> -> memref<40xi32, #tpu.memory_space<vmem>>
        %dma_start3A_658 = arith.constant 0 : i32
        %dma_start3A_659 = arith.constant 0 : i32
        %dma_start3A_660 = tpu.memref_slice %arg3[%dma_start3A_658, %dma_start3A_659] : memref<100000x128xf32, #tpu.memory_space<hbm>> -> memref<100000x128xf32, #tpu.memory_space<hbm>>
        tpu.enqueue_indirect_dma source(%dma_start3A_660 : memref<100000x128xf32, #tpu.memory_space<hbm>>) target(%dma_start3A_656 : memref<40x128xf32, #tpu.memory_space<vmem>>) offsets(%dma_start3A_657 : memref<40xi32, #tpu.memory_space<vmem>>) semaphore(%arg9 : memref<!tpu.dma_semaphore, #tpu.memory_space<semaphore_mem>>)
        %mul3A_661 = arith.constant 200 : i32
        %mul3A_662 = arith.muli %sub3A_618, %mul3A_661 : i32
        %add3A_663 = arith.constant 80 : i32
        %add3A_664 = arith.addi %mul3A_662, %add3A_663 : i32
        %dma_start3A_665 = arith.constant 480 : i32
        %dma_start3A_666 = arith.constant 0 : i32
        %dma_start3A_667 = tpu.memref_slice %arg6[%dma_start3A_665, %dma_start3A_666] : memref<800x128xf32, #tpu.memory_space<vmem>> -> memref<40x128xf32, #tpu.memory_space<vmem>>
        %dma_start3A_668 = tpu.memref_slice %arg5[%add3A_664] : memref<6400xi32, #tpu.memory_space<vmem>> -> memref<40xi32, #tpu.memory_space<vmem>>
        %dma_start3A_669 = arith.constant 0 : i32
        %dma_start3A_670 = arith.constant 0 : i32
        %dma_start3A_671 = tpu.memref_slice %arg3[%dma_start3A_669, %dma_start3A_670] : memref<100000x128xf32, #tpu.memory_space<hbm>> -> memref<100000x128xf32, #tpu.memory_space<hbm>>
        tpu.enqueue_indirect_dma source(%dma_start3A_671 : memref<100000x128xf32, #tpu.memory_space<hbm>>) target(%dma_start3A_667 : memref<40x128xf32, #tpu.memory_space<vmem>>) offsets(%dma_start3A_668 : memref<40xi32, #tpu.memory_space<vmem>>) semaphore(%arg9 : memref<!tpu.dma_semaphore, #tpu.memory_space<semaphore_mem>>)
        %mul3A_672 = arith.constant 200 : i32
        %mul3A_673 = arith.muli %sub3A_618, %mul3A_672 : i32
        %add3A_674 = arith.constant 120 : i32
        %add3A_675 = arith.addi %mul3A_673, %add3A_674 : i32
        %dma_start3A_676 = arith.constant 520 : i32
        %dma_start3A_677 = arith.constant 0 : i32
        %dma_start3A_678 = tpu.memref_slice %arg6[%dma_start3A_676, %dma_start3A_677] : memref<800x128xf32, #tpu.memory_space<vmem>> -> memref<40x128xf32, #tpu.memory_space<vmem>>
        %dma_start3A_679 = tpu.memref_slice %arg5[%add3A_675] : memref<6400xi32, #tpu.memory_space<vmem>> -> memref<40xi32, #tpu.memory_space<vmem>>
        %dma_start3A_680 = arith.constant 0 : i32
        %dma_start3A_681 = arith.constant 0 : i32
        %dma_start3A_682 = tpu.memref_slice %arg3[%dma_start3A_680, %dma_start3A_681] : memref<100000x128xf32, #tpu.memory_space<hbm>> -> memref<100000x128xf32, #tpu.memory_space<hbm>>
        tpu.enqueue_indirect_dma source(%dma_start3A_682 : memref<100000x128xf32, #tpu.memory_space<hbm>>) target(%dma_start3A_678 : memref<40x128xf32, #tpu.memory_space<vmem>>) offsets(%dma_start3A_679 : memref<40xi32, #tpu.memory_space<vmem>>) semaphore(%arg9 : memref<!tpu.dma_semaphore, #tpu.memory_space<semaphore_mem>>)
        %mul3A_683 = arith.constant 200 : i32
        %mul3A_684 = arith.muli %sub3A_618, %mul3A_683 : i32
        %add3A_685 = arith.constant 160 : i32
        %add3A_686 = arith.addi %mul3A_684, %add3A_685 : i32
        %dma_start3A_687 = arith.constant 560 : i32
        %dma_start3A_688 = arith.constant 0 : i32
        %dma_start3A_689 = tpu.memref_slice %arg6[%dma_start3A_687, %dma_start3A_688] : memref<800x128xf32, #tpu.memory_space<vmem>> -> memref<40x128xf32, #tpu.memory_space<vmem>>
        %dma_start3A_690 = tpu.memref_slice %arg5[%add3A_686] : memref<6400xi32, #tpu.memory_space<vmem>> -> memref<40xi32, #tpu.memory_space<vmem>>
        %dma_start3A_691 = arith.constant 0 : i32
        %dma_start3A_692 = arith.constant 0 : i32
        %dma_start3A_693 = tpu.memref_slice %arg3[%dma_start3A_691, %dma_start3A_692] : memref<100000x128xf32, #tpu.memory_space<hbm>> -> memref<100000x128xf32, #tpu.memory_space<hbm>>
        tpu.enqueue_indirect_dma source(%dma_start3A_693 : memref<100000x128xf32, #tpu.memory_space<hbm>>) target(%dma_start3A_689 : memref<40x128xf32, #tpu.memory_space<vmem>>) offsets(%dma_start3A_690 : memref<40xi32, #tpu.memory_space<vmem>>) semaphore(%arg9 : memref<!tpu.dma_semaphore, #tpu.memory_space<semaphore_mem>>)
      } else {
      }
    }
    %scan3A_168 = arith.constant 8 : i32
    %dma_wait3A = arith.constant 0 : i32
    %dma_wait3A_169 = arith.constant 0 : i32
    %dma_wait3A_170 = tpu.memref_slice %arg6[%dma_wait3A, %dma_wait3A_169] : memref<800x128xf32, #tpu.memory_space<vmem>> -> memref<200x128xf32, #tpu.memory_space<vmem>>
    %dma_wait3A_171 = arith.constant 0 : i32
    %dma_wait3A_172 = arith.constant 0 : i32
    %dma_wait3A_173 = tpu.memref_slice %arg3[%dma_wait3A_171, %dma_wait3A_172] : memref<100000x128xf32, #tpu.memory_space<hbm>> -> memref<200x128xf32, #tpu.memory_space<hbm>>
    %dma_wait3A_174 = arith.constant 0 : i32
    %dma_wait3A_175 = arith.constant 0 : i32
    %dma_wait3A_176 = tpu.memref_slice %arg6[%dma_wait3A_174, %dma_wait3A_175] : memref<800x128xf32, #tpu.memory_space<vmem>> -> memref<200x128xf32, #tpu.memory_space<vmem>>
    %dma_wait3A_177 = arith.constant 0 : i32
    %dma_wait3A_178 = arith.constant 0 : i32
    %dma_wait3A_179 = tpu.memref_slice %arg3[%dma_wait3A_177, %dma_wait3A_178] : memref<100000x128xf32, #tpu.memory_space<hbm>> -> memref<200x128xf32, #tpu.memory_space<hbm>>
    tpu.wait_dma2 semaphore(%arg11 : memref<!tpu.dma_semaphore, #tpu.memory_space<semaphore_mem>>) src(%dma_wait3A_179 : memref<200x128xf32, #tpu.memory_space<hbm>>) dst(%dma_wait3A_176 : memref<200x128xf32, #tpu.memory_space<vmem>>)
    %dma_wait3A_180 = arith.constant 200 : i32
    %dma_wait3A_181 = arith.constant 0 : i32
    %dma_wait3A_182 = tpu.memref_slice %arg6[%dma_wait3A_180, %dma_wait3A_181] : memref<800x128xf32, #tpu.memory_space<vmem>> -> memref<200x128xf32, #tpu.memory_space<vmem>>
    %dma_wait3A_183 = arith.constant 0 : i32
    %dma_wait3A_184 = arith.constant 0 : i32
    %dma_wait3A_185 = tpu.memref_slice %arg3[%dma_wait3A_183, %dma_wait3A_184] : memref<100000x128xf32, #tpu.memory_space<hbm>> -> memref<200x128xf32, #tpu.memory_space<hbm>>
    %dma_wait3A_186 = arith.constant 200 : i32
    %dma_wait3A_187 = arith.constant 0 : i32
    %dma_wait3A_188 = tpu.memref_slice %arg6[%dma_wait3A_186, %dma_wait3A_187] : memref<800x128xf32, #tpu.memory_space<vmem>> -> memref<200x128xf32, #tpu.memory_space<vmem>>
    %dma_wait3A_189 = arith.constant 0 : i32
    %dma_wait3A_190 = arith.constant 0 : i32
    %dma_wait3A_191 = tpu.memref_slice %arg3[%dma_wait3A_189, %dma_wait3A_190] : memref<100000x128xf32, #tpu.memory_space<hbm>> -> memref<200x128xf32, #tpu.memory_space<hbm>>
    tpu.wait_dma2 semaphore(%arg12 : memref<!tpu.dma_semaphore, #tpu.memory_space<semaphore_mem>>) src(%dma_wait3A_191 : memref<200x128xf32, #tpu.memory_space<hbm>>) dst(%dma_wait3A_188 : memref<200x128xf32, #tpu.memory_space<vmem>>)
    %dma_wait3A_192 = arith.constant 400 : i32
    %dma_wait3A_193 = arith.constant 0 : i32
    %dma_wait3A_194 = tpu.memref_slice %arg6[%dma_wait3A_192, %dma_wait3A_193] : memref<800x128xf32, #tpu.memory_space<vmem>> -> memref<200x128xf32, #tpu.memory_space<vmem>>
    %dma_wait3A_195 = arith.constant 0 : i32
    %dma_wait3A_196 = arith.constant 0 : i32
    %dma_wait3A_197 = tpu.memref_slice %arg3[%dma_wait3A_195, %dma_wait3A_196] : memref<100000x128xf32, #tpu.memory_space<hbm>> -> memref<200x128xf32, #tpu.memory_space<hbm>>
    %dma_wait3A_198 = arith.constant 400 : i32
    %dma_wait3A_199 = arith.constant 0 : i32
    %dma_wait3A_200 = tpu.memref_slice %arg6[%dma_wait3A_198, %dma_wait3A_199] : memref<800x128xf32, #tpu.memory_space<vmem>> -> memref<200x128xf32, #tpu.memory_space<vmem>>
    %dma_wait3A_201 = arith.constant 0 : i32
    %dma_wait3A_202 = arith.constant 0 : i32
    %dma_wait3A_203 = tpu.memref_slice %arg3[%dma_wait3A_201, %dma_wait3A_202] : memref<100000x128xf32, #tpu.memory_space<hbm>> -> memref<200x128xf32, #tpu.memory_space<hbm>>
    tpu.wait_dma2 semaphore(%arg13 : memref<!tpu.dma_semaphore, #tpu.memory_space<semaphore_mem>>) src(%dma_wait3A_203 : memref<200x128xf32, #tpu.memory_space<hbm>>) dst(%dma_wait3A_200 : memref<200x128xf32, #tpu.memory_space<vmem>>)
    %dma_wait3A_204 = arith.constant 600 : i32
    %dma_wait3A_205 = arith.constant 0 : i32
    %dma_wait3A_206 = tpu.memref_slice %arg6[%dma_wait3A_204, %dma_wait3A_205] : memref<800x128xf32, #tpu.memory_space<vmem>> -> memref<200x128xf32, #tpu.memory_space<vmem>>
    %dma_wait3A_207 = arith.constant 0 : i32
    %dma_wait3A_208 = arith.constant 0 : i32
    %dma_wait3A_209 = tpu.memref_slice %arg3[%dma_wait3A_207, %dma_wait3A_208] : memref<100000x128xf32, #tpu.memory_space<hbm>> -> memref<200x128xf32, #tpu.memory_space<hbm>>
    %dma_wait3A_210 = arith.constant 600 : i32
    %dma_wait3A_211 = arith.constant 0 : i32
    %dma_wait3A_212 = tpu.memref_slice %arg6[%dma_wait3A_210, %dma_wait3A_211] : memref<800x128xf32, #tpu.memory_space<vmem>> -> memref<200x128xf32, #tpu.memory_space<vmem>>
    %dma_wait3A_213 = arith.constant 0 : i32
    %dma_wait3A_214 = arith.constant 0 : i32
    %dma_wait3A_215 = tpu.memref_slice %arg3[%dma_wait3A_213, %dma_wait3A_214] : memref<100000x128xf32, #tpu.memory_space<hbm>> -> memref<200x128xf32, #tpu.memory_space<hbm>>
    tpu.wait_dma2 semaphore(%arg14 : memref<!tpu.dma_semaphore, #tpu.memory_space<semaphore_mem>>) src(%dma_wait3A_215 : memref<200x128xf32, #tpu.memory_space<hbm>>) dst(%dma_wait3A_212 : memref<200x128xf32, #tpu.memory_space<vmem>>)
    return
  }
}

</mosaic_0001>

<sc_bundles>
// kernel: kernel.3.cloned.1.call-start
scs
__scs_entry_jumppad:
0x0: {  	(pc) =	sbr.rel $0x88, $3  }
0x1: {  	(tag) =	ssettag $0x0;
	lr =	simm.s32 $0x1  }
0x2: {  	[smem:$0x3F9F] =	sst lr;
	_ =	strace $0xD0000000  }
0x3: {  	_ = 	snop  }
0x4: {  	_ = 	snop  }
0x5: {  	_ = 	snop  }
0x6: {  	_ = 	snop  }
0x7: {  	_ = 	snop  }
__scs_overlays_trampoline_lowered:
0x8: {  	[smem:$0x3FAE] =	sst s0  }
0x9: {  	[smem:$0x3FAF] =	sst s1  }
0xa: {  	[smem:$0x3FB0] =	sst s2  }
0xb: {  	[smem:$0x3FB1] =	sst s3  }
0xc: {  	[smem:$0x3FB2] =	sst s4  }
0xd: {  	[smem:$0x3FB3] =	sst s5  }
0xe: {  	[smem:$0x3FB4] =	sst s6  }
0xf: {  	[smem:$0x3FB5] =	sst s7  }
0x10: {  	[smem:$0x3FB6] =	sst s8  }
0x11: {  	[smem:$0x3FB7] =	sst s9;
	s0 =	simm.s32 @!p0 $0x0  }
0x12: {  	s1 =	sld [smem:$0x3F9D];
	s0 =	simm.s32 @p0 $0x1  }
0x13: {  	[smem:$0x3FB8] =	sst s0;
	s0 =	simm.s32 @!p1 $0x0  }
0x14: {  	s2 =	sld [smem:$0x3F9C];
	s0 =	simm.s32 @p1 $0x1  }
0x15: {  	[smem:$0x3FB9] =	sst s0;
	s0 =	simm.s32 @!p2 $0x0  }
0x16: {  	s3 =	sld [smem:$0x3FDB];
	s0 =	simm.s32 @p2 $0x1  }
0x17: {  	s4 =	simm.s32 $0x1BF5;
	[smem:$0x3FBB] =	sst s0  }
0x18: {  	s0 =	sld [smem:$0x3F9E];
	_ =	swait.ge [sflag:s4], $0x0  }
0x19: {  	s7 =	sld [smem:$0x3F9F]  }
0x1a: {  	s8 =	sadd.s32 $0xFFFFE003, lr  }
0x1b: {  	s9 =	sadd.s32 $0xFFFFFEF7, lr;
	s5 =	simm.s32 $0xFFFFFFFF;
	p2 =	slt.u32 s8, $0xFFFFF086  }
0x1c: {  	p1 =	slt.u32 s9, $0xF7A;
	s5 =	simm.s32 @!p2 $0x0  }
0x1d: {  	s5 =	simm.s32 @p1 $0x1;
	p0 =	seq.s32 s7, s2  }
0x1e: {  	s7 =	smul.u32 @!p0 $0xF7A, s2;
	p2 =	seq.s32 @!p0 s5, $0x0  }
0x1f: {  	s9 =	smul.u32 $0xF7A, s1;
	s8 =	simm.s32 @!p0 $0x1BF5;
	p2 =	por !p2, p0  }
0x20: {  	[sflag:s8] =	ssyncset.s32 @!p0 $0xFFFFF086;
	s6 =	sadd.s32 @!p0 s3, s7;
	s7 =	simm.s32 @!p0 $0x108  }
0x21: {  	s3 =	sadd.s32 s3, s9;
	s6 =	sadd.s32 @!p0 $0x88, s6;
	s7 =	simm.s32 @p2 $0x1082  }
0x22: {  	[simem:s7], [sflag:s8] =	dma.local @!p0 [hbm:s6], $0xF7A  }
0x23: {  	s9 =	sor.u32 $0xD0000000, s2;
	s6 =	simm.s32 $0x108;
	_ =	swait.ge @!p0 [sflag:s8], $0x0  }
0x24: {  	s3 =	sadd.s32 $0x88, s3;
	s6 =	simm.s32 @!p1 $0x1082;
	[sflag:s4] =	ssyncset.s32 $0xFFFFF086  }
0x25: {  	[simem:s6], [sflag:s4] =	dma.local [hbm:s3], $0xF7A  }
0x26: {  	[smem:$0x3F9F] =	sst s1;
	(tag) =	ssettag s2;
	_ =	strace s9  }
0x27: {  	s1 =	sld [smem:$0x3FAF]  }
0x28: {  	s2 =	sld [smem:$0x3FB0]  }
0x29: {  	s4 =	sld [smem:$0x3FB2]  }
0x2a: {  	p0 =	seq.s32 s5, $0x0;
	s5 =	sld [smem:$0x3FB3]  }
0x2b: {  	s6 =	sld [smem:$0x3FB4]  }
0x2c: {  	s7 =	sld [smem:$0x3FB5]  }
0x2d: {  	s3 =	simm.s32 $0x108;
	s8 =	sld [smem:$0x3FB6]  }
0x2e: {  	s3 =	simm.s32 @!p0 $0x1082;
	s9 =	sld [smem:$0x3FB7]  }
0x2f: {  	lr =	sadd.s32 s0, s3;
	s0 =	sld [smem:$0x3FAE]  }
0x30: {  	s3 =	sld [smem:$0x3FB1]  }
0x31: {  	[smem:$0x3FBA] =	sst s10  }
0x32: {  	s10 =	sld [smem:$0x3FB8];
	_ =	sdelay $0x3  }
0x33: {  	p0 =	seq.s32 s10, $0x1;
	s10 =	sld [smem:$0x3FBA];
	_ =	sdelay $0x3  }
0x34: {  	[smem:$0x3FBA] =	sst s10  }
0x35: {  	s10 =	sld [smem:$0x3FB9];
	_ =	sdelay $0x3  }
0x36: {  	p1 =	seq.s32 s10, $0x1;
	s10 =	sld [smem:$0x3FBA];
	_ =	sdelay $0x3  }
0x37: {  	[smem:$0x3FBA] =	sst s10  }
0x38: {  	s10 =	sld [smem:$0x3FBB]  }
0x39: {  	_ = 	snop;
	(pc) =	sbr.ind lr, $3  }
0x3a: {  	_ = 	snop  }
0x3b: {  	_ = 	snop  }
0x3c: {  	p2 =	seq.s32 s10, $0x1;
	s10 =	sld [smem:$0x3FBA]  }
0x3d: {  	_ =	shalt  }
0x3e: {  	_ =	shalt  }
0x3f: {  	_ =	shalt  }
0x40: {  	_ =	shalt  }
0x41: {  	_ =	shalt  }
0x42: {  	_ =	shalt  }
0x43: {  	_ =	shalt  }
0x44: {  	_ =	shalt  }
0x45: {  	_ =	shalt  }
0x46: {  	_ =	shalt  }
0x47: {  	_ =	shalt  }
0x48: {  	_ =	shalt  }
0x49: {  	_ =	shalt  }
0x4a: {  	_ =	shalt  }
0x4b: {  	_ =	shalt  }
0x4c: {  	_ =	shalt  }
0x4d: {  	_ =	shalt  }
0x4e: {  	_ =	shalt  }
0x4f: {  	_ =	shalt  }
0x50: {  	_ =	shalt  }
0x51: {  	_ =	shalt  }
0x52: {  	_ =	shalt  }
0x53: {  	_ =	shalt  }
0x54: {  	_ =	shalt  }
0x55: {  	_ =	shalt  }
0x56: {  	_ =	shalt  }
0x57: {  	_ =	shalt  }
0x58: {  	_ =	shalt  }
0x59: {  	_ =	shalt  }
0x5a: {  	_ =	shalt  }
0x5b: {  	_ =	shalt  }
0x5c: {  	_ =	shalt  }
0x5d: {  	_ =	shalt  }
0x5e: {  	_ =	shalt  }
0x5f: {  	_ =	shalt  }
0x60: {  	_ =	shalt  }
0x61: {  	_ =	shalt  }
0x62: {  	_ =	shalt  }
0x63: {  	_ =	shalt  }
0x64: {  	_ =	shalt  }
0x65: {  	_ =	shalt  }
0x66: {  	_ =	shalt  }
0x67: {  	_ =	shalt  }
0x68: {  	_ =	shalt  }
0x69: {  	_ =	shalt  }
0x6a: {  	_ =	shalt  }
0x6b: {  	_ =	shalt  }
0x6c: {  	_ =	shalt  }
0x6d: {  	_ =	shalt  }
0x6e: {  	_ =	shalt  }
0x6f: {  	_ =	shalt  }
0x70: {  	_ =	shalt  }
0x71: {  	_ =	shalt  }
0x72: {  	_ =	shalt  }
0x73: {  	_ =	shalt  }
0x74: {  	_ =	shalt  }
0x75: {  	_ =	shalt  }
0x76: {  	_ =	shalt  }
0x77: {  	_ =	shalt  }
0x78: {  	_ =	shalt  }
0x79: {  	_ =	shalt  }
0x7a: {  	_ =	shalt  }
0x7b: {  	_ =	shalt  }
0x7c: {  	_ =	shalt  }
0x7d: {  	_ =	shalt  }
0x7e: {  	_ =	shalt  }
0x7f: {  	_ =	shalt  }
0x80: {  	_ =	shalt  }
0x81: {  	_ =	shalt  }
0x82: {  	_ =	shalt  }
0x83: {  	_ =	shalt  }
0x84: {  	_ =	shalt  }
0x85: {  	_ =	shalt  }
0x86: {  	_ =	shalt  }
0x87: {  	_ =	shalt  }
.Lfunc_end0:
.L_simem_size_0:
called_computation_lowered:
.L_overlay_start_0:
0x88: {  	s2 =	sld [smem:$0x3FD9]  }
0x89: {  	s3 =	sld [smem:$0x3FFE];
	_ =	sdelay $0x1  }
0x8a: {  	s1 =	srdreg.scid  }
0x8b: {  	s0 =	sand.u32 $0x1, s1  }
0x8c: {  	s17 =	sshll.u32 s0, $0xA;
	s2 =	sadd.s32 s3, s2  }
0x8d: {  	s2 =	sadd.s32 s2, s17  }
0x8e: {  	[smem:$0x3FC6] =	sst s2  }
0x8f: {  	_ = 	snop  }
0x90: {  	s2 =	sld [smem:$0x3FC8]  }
0x91: {  	s18 =	sld [smem:$0x3FD0];
	(tm) =	ssettm $0x1  }
0x92: {  	s4 =	sld [smem:$0x3FFB];
	_ =	sdelay $0x3  }
0x93: {  	_ =	strace s4  }
0x94: {  	s4 =	sld [smem:$0x3FFC];
	_ =	sdelay $0x3  }
0x95: {  	_ =	strace s4  }
0x96: {  	s4 =	sld [smem:$0x3FFD];
	_ =	sdelay $0x3  }
0x97: {  	_ =	strace s4  }
0x98: {  	_ =	strace $0x8FFFFFFF  }
0x99: {  	s19 =	sld [smem:$0x3FDB];
	_ =	sdelay $0x1  }
0x9a: {  	s5 =	simm.s32 $_scs_section_size  }
0x9b: {  	s6 =	simm.s32 $_size__tile_overlayer_lowered;
	s7 =	simm.s32 $_tile_overlayer_lowered  }
0x9c: {  	s22 =	simm.s32 $0x1BFF;
	s21 =	sshll.u32 s7, $0x1;
	s4 =	sadd.s32 s5, s19  }
0x9d: {  	s8 =	simm.s32 $0x0;
	s20 =	sshll.u32 s6, $0x1;
	s6 =	sadd.s32 s21, s4  }
0x9e: {  	[timem:s8], [sflag:s22] =	dma.local [hbm:s6], s20  }
0x9f: {  	_ =	swait.ge [sflag:s22], s20  }
0xa0: {  	s5 =	ssub.s32 $0x0, s20;
	[sflag:s22] =	ssyncset.done $0x0  }
0xa1: {  	[sflag:s22] =	ssyncadd.s32 s5;
	_ =	sdelay $0x1  }
0xa2: {  	s23 =	simm.s32 $0x1B8B  }
0xa3: {  	_ =	swait.ge [sflag:s23], $0x1  }
0xa4: {  	[sflag:s23] =	ssyncset.done $0x0  }
0xa5: {  	s25 =	simm.s32 $0x1B8E;
	s24 =	sld [smem:$0x3FFE];
	[sflag:s23] =	ssyncadd.s32 $0xFFFFFFFF  }
0xa6: {  	s26 =	simm.s32 $execute0_lowered;
	[smem:$0x3FD2] =	sst s25  }
0xa7: {  	s6 =	sshll.u32 s26, $0x1;
	_ =	strace $0x80000046;
	[dreg:$0x1] =	wrdreg $0xFFFFFFFF  }
0xa8: {  	s28 =	simm.s32 $_size_execute0_lowered;
	s4 =	sadd.s32 s4, s6;
	[dreg:$0x0] =	wrdreg $0x0  }
0xa9: {  	s6 =	sshll.u32 s28, $0x1;
	[dreg:$0x2] =	wrdreg s4  }
0xaa: {  	[dreg:$0x3] =	wrdreg s6  }
0xab: {  	[dreg:$0x4] =	wrdreg $0xC0  }
0xac: {  	_ =	task [dreg:s8], $0x5FFFF  }
0xad: {  	[dreg:$0x1] =	wrdreg $0xFFFFFFFF  }
0xae: {  	[dreg:$0x0] =	wrdreg $0x60  }
0xaf: {  	[dreg:$0x2] =	wrdreg s18  }
0xb0: {  	[dreg:$0x3] =	wrdreg s2  }
0xb1: {  	[dreg:$0x4] =	wrdreg s24  }
0xb2: {  	[dreg:$0x5] =	wrdreg $0x9  }
0xb3: {  	_ =	task.clear_ibuf [dreg:s8], $0x6FFFF;
	_ =	strace $0x90000046  }
0xb4: {  	s29 =	simm.s32 $0x9;
	_ =	strace $0x80000048  }
0xb5: {  	_ =	swait.ge [sflag:s29], $0x1  }
0xb6: {  	[sflag:s29] =	ssyncadd.s32 $0xFFFFFFFF  }
0xb7: {  	_ =	strace $0x90000048  }
0xb8: {  	_ =	sfence  }
0xb9: {  	s30 =	sld [smem:$0x0];
	_ =	sdelay $0x2  }
0xba: {  	s31 =	sshll.u32 s1, $0xD;
	s1 =	sshrl.u32 s1, $0x2  }
0xbb: {  	s3 =	sand.u32 $0x4000, s31;
	s1 =	sadd.s32 s1, s30  }
0xbc: {  	s0 =	sor.u32 s3, s0;
	s1 =	sshll.u32 s1, $0x11  }
0xbd: {  	s0 =	sor.u32 s1, s0  }
0xbe: {  	s0 =	sadd.s32 $0x8F2B, s0  }
0xbf: {  	[sflag:s0] =	ssyncadd.remote.s32 $0x1  }
0xc0: {  	_ =	sfence.sel $0xFFFF  }
0xc1: {  	[dreg:$0x0] =	wrdreg $0xFFFFFFFF;
	(pc) =	sbr.abs _section_cstart, $3  }
0xc2: {  	[dreg:$0x1] =	wrdreg $0xFFFFFFFF  }
0xc3: {  	_ =	task.clear_ibuf [dreg:s8], $0x2FFFF;
	_ =	strace $0x9FFFFFFF  }
0xc4: {  	(tm) =	ssettm $0x7FFFFFFF  }
0xc5: {  	_ =	shalt  }
tec
execute0_lowered:
.L_overlay_start_1:
0x0: {  	(tag) =	ssettag $0x1  }
0x1: {  	s0 =	rddreg [dreg:$0x0]  }
0x2: {  	s1 =	srdreg.scid;
	s2 =	rddreg [dreg:$0x1]  }
0x3: {  	s10 =	stileid.u32;
	s4 =	rddreg [dreg:$0x2]  }
0x4: {  	s30 =	simm.s32 $0x1;
	s29 =	simm.s32 $0x12C00;
	s28 =	simm.s32 $0x4  }
0x5: {  	s31 =	simm.s32 $0x15E00;
	s1 =	sand.u32 $0x1, s1;
	s7 =	smul.u32 $0x1C0000, s10  }
0x6: {  	s3 =	sshll.u32 s10, $0x1;
	s4 =	sadd.s32 $0x400, s4;
	s18 =	smul.u32 $0x38000, s10  }
0x7: {  	s5 =	sor.u32 s1, s3;
	s3 =	simm.s32 $0x0;
	s9 =	smul.u32 $0xE0000, s1  }
0x8: {  	s6 =	ssub.s32 $0x2, s1;
	s1 =	smul.u32 $0x1C000, s1;
	[smem:$0x7FF] =	sst s3  }
0x9: {  	s5 =	smul.u32 $0x320, s5;
	s8 =	sshrl.u32 s6, $0x1;
	_ =	strace $0x80000047  }
0xa: {  	[dreg:$0x4] =	wrdreg s4;
	s15 =	ssub.s32 s6, s8;
	s17 =	sadd.s32 s9, s7  }
0xb: {  	s9 =	sadd.s32 s1, s18;
	s18 =	simm.s32 $0x28;
	s6 =	simm.s32 $0x3  }
0xc: {  	s0 =	sadd.s32 s0, s5;
	s16 =	smax.u32 s15, $0x1;
	s19 =	sor.u32 $0x13400, s17  }
0xd: {  	s20 =	sor.u32 $0x11800, s17;
	s21 =	sor.u32 $0xC400, s17;
	s22 =	sor.u32 $0xA800, s17  }
0xe: {  	s23 =	sor.u32 $0x8C00, s17;
	s24 =	sor.u32 $0x5400, s17;
	s25 =	sor.u32 $0x1A400, s17  }
0xf: {  	s26 =	sor.u32 $0x18800, s17;
	s5 =	simm.s32 $0x0;
	[dreg:$0x5] =	wrdreg s0  }
0x10: {  	[dreg:$0x6] =	wrdreg s16;
	s7 =	sshrl.u32 s19, $0x3;
	s8 =	sshrl.u32 s20, $0x3  }
.Ltmp0:
0x11: {  	s10 =	sshrl.u32 s21, $0x3;
	s11 =	sshrl.u32 s22, $0x3;
	(pc) =	sbr.rel .LBB2_1-.Ltmp0, $4  }
0x12: {  	s12 =	sshrl.u32 s23, $0x3;
	s13 =	sshrl.u32 s24, $0x3;
	s14 =	sshrl.u32 s25, $0x3  }
0x13: {  	s0 =	sor.u32 $0x16C00, s17;
	s15 =	sshrl.u32 s26, $0x3;
	s25 =	simm.s32 $0xE100  }
0x14: {  	s24 =	simm.s32 $0x2;
	s19 =	simm.s32 $0x11300;
	s21 =	simm.s32 $0x19000  }
0x15: {  	s23 =	simm.s32 $0x7;
	s16 =	sshrl.u32 s0, $0x3;
	s0 =	simm.s32 $0x17700  }
.LBB2_4:
0x16: {  	s1 =	simm.s32 $0x5  }
0x17: {  	_ =	swait.ge [sflag:s1], $0x6400  }
0x18: {  	[sflag:s1] =	ssyncset.done $0x0  }
0x19: {  	s22 =	simm.s32 $0x6;
	[sflag:s1] =	ssyncadd.s32 $0xFFFF9C00  }
0x1a: {  	_ =	swait.ge [sflag:s22], $0x6400  }
0x1b: {  	[sflag:s22] =	ssyncset.done $0x0  }
0x1c: {  	[sflag:s22] =	ssyncadd.s32 $0xFFFF9C00  }
0x1d: {  	_ =	swait.ge [sflag:s23], $0x6400  }
0x1e: {  	[sflag:s23] =	ssyncset.done $0x0  }
0x1f: {  	s4 =	simm.s32 $0x8;
	[sflag:s23] =	ssyncadd.s32 $0xFFFF9C00  }
0x20: {  	_ =	swait.ge [sflag:s4], $0x6400  }
0x21: {  	s5 =	rddreg [dreg:$0x7]  }
0x22: {  	s26 =	rddreg [dreg:$0x6];
	s5 =	sadd.s32 $0x1, s5  }
0x23: {  	p0 =	sne.s32 s5, s26  }
.Ltmp1:
0x24: {  	_ = 	snop;
	(pc) =	sbr.rel @!p0 .LBB2_5-.Ltmp1, $3  }
0x25: {  	_ =	sdelay $0x1  }
0x26: {  	[sflag:s4] =	ssyncset.done $0x0  }
0x27: {  	[sflag:s4] =	ssyncadd.s32 $0xFFFF9C00  }
.LBB2_1:
0x28: {  	[dreg:$0x7] =	wrdreg s5  }
0x29: {  	s1 =	rddreg [dreg:$0x5];
	s22 =	simm.s32 $0x9  }
0x2a: {  	[tilespmem:s3], [sflag:$0x9] =	stream.linear.gather [hbm4b:s1+s3], $0x1900, $0x38;
	[tilespmem:$0x1A900] =	vst v63  }
0x2b: {  	_ =	swait.ge [sflag:s22], $0x1900  }
0x2c: {  	[sflag:s22] =	ssyncset.done $0x0  }
0x2d: {  	s26 =	simm.s32 $0x1900;
	[sflag:s22] =	ssyncadd.s32 $0xFFFFE700  }
0x2e: {  	[tilespmem:s26], [sflag:$0x1] =	stream.indirect.gather [hbm4b:s2+s18], $0x80, s3, s18, $0xb8;
	[tilespmem:$0x1A900] =	vst v63  }
0x2f: {  	s4 =	simm.s32 $0x2D00  }
0x30: {  	[tilespmem:s4], [sflag:$0x1] =	stream.indirect.gather [hbm4b:s2+s18], $0x80, s18, s18, $0xb8;
	[tilespmem:$0x1A900] =	vst v63  }
0x31: {  	s5 =	simm.s32 $0x50;
	s4 =	simm.s32 $0x4100  }
0x32: {  	[tilespmem:s4], [sflag:$0x1] =	stream.indirect.gather [hbm4b:s2+s18], $0x80, s5, s18, $0xb8;
	[tilespmem:$0x1A900] =	vst v63  }
0x33: {  	s17 =	simm.s32 $0x78;
	s20 =	simm.s32 $0x5500  }
0x34: {  	[tilespmem:s20], [sflag:$0x1] =	stream.indirect.gather [hbm4b:s2+s18], $0x80, s17, s18, $0xb8;
	[tilespmem:$0x1A900] =	vst v63  }
0x35: {  	s22 =	simm.s32 $0xA0;
	s26 =	simm.s32 $0x6900  }
0x36: {  	[tilespmem:s26], [sflag:$0x1] =	stream.indirect.gather [hbm4b:s2+s18], $0x80, s22, s18, $0xb8;
	[tilespmem:$0x1A900] =	vst v63  }
0x37: {  	s4 =	simm.s32 $0xC8;
	s5 =	simm.s32 $0x7D00  }
0x38: {  	[tilespmem:s5], [sflag:$0x2] =	stream.indirect.gather [hbm4b:s2+s18], $0x80, s4, s18, $0xb8;
	[tilespmem:$0x1A900] =	vst v63  }
0x39: {  	s17 =	simm.s32 $0xF0;
	s20 =	simm.s32 $0x9100  }
0x3a: {  	[tilespmem:s20], [sflag:$0x2] =	stream.indirect.gather [hbm4b:s2+s18], $0x80, s17, s18, $0xb8;
	[tilespmem:$0x1A900] =	vst v63  }
0x3b: {  	s22 =	simm.s32 $0x118;
	s26 =	simm.s32 $0xA500  }
0x3c: {  	[tilespmem:s26], [sflag:$0x2] =	stream.indirect.gather [hbm4b:s2+s18], $0x80, s22, s18, $0xb8;
	[tilespmem:$0x1A900] =	vst v63  }
0x3d: {  	s5 =	simm.s32 $0x140;
	s17 =	simm.s32 $0xB900  }
0x3e: {  	[tilespmem:s17], [sflag:$0x2] =	stream.indirect.gather [hbm4b:s2+s18], $0x80, s5, s18, $0xb8;
	[tilespmem:$0x1A900] =	vst v63  }
0x3f: {  	s20 =	simm.s32 $0x168;
	s22 =	simm.s32 $0xCD00  }
0x40: {  	[tilespmem:s22], [sflag:$0x2] =	stream.indirect.gather [hbm4b:s2+s18], $0x80, s20, s18, $0xb8;
	[tilespmem:$0x1A900] =	vst v63  }
0x41: {  	s26 =	simm.s32 $0x190  }
0x42: {  	[tilespmem:s25], [sflag:$0x3] =	stream.indirect.gather [hbm4b:s2+s18], $0x80, s26, s18, $0xb8;
	[tilespmem:$0x1A900] =	vst v63  }
0x43: {  	s4 =	simm.s32 $0x1B8;
	s5 =	simm.s32 $0xF500  }
0x44: {  	[tilespmem:s5], [sflag:$0x3] =	stream.indirect.gather [hbm4b:s2+s18], $0x80, s4, s18, $0xb8;
	[tilespmem:$0x1A900] =	vst v63  }
0x45: {  	s17 =	simm.s32 $0x1E0;
	s20 =	simm.s32 $0x10900  }
0x46: {  	[tilespmem:s20], [sflag:$0x3] =	stream.indirect.gather [hbm4b:s2+s18], $0x80, s17, s18, $0xb8;
	[tilespmem:$0x1A900] =	vst v63  }
0x47: {  	s22 =	simm.s32 $0x208;
	s26 =	simm.s32 $0x11D00  }
0x48: {  	[tilespmem:s26], [sflag:$0x3] =	stream.indirect.gather [hbm4b:s2+s18], $0x80, s22, s18, $0xb8;
	[tilespmem:$0x1A900] =	vst v63  }
0x49: {  	s4 =	simm.s32 $0x230;
	s5 =	simm.s32 $0x13100  }
0x4a: {  	[tilespmem:s5], [sflag:$0x3] =	stream.indirect.gather [hbm4b:s2+s18], $0x80, s4, s18, $0xb8;
	[tilespmem:$0x1A900] =	vst v63  }
0x4b: {  	s17 =	simm.s32 $0x258;
	s20 =	simm.s32 $0x14500  }
0x4c: {  	[tilespmem:s20], [sflag:$0x4] =	stream.indirect.gather [hbm4b:s2+s18], $0x80, s17, s18, $0xb8;
	[tilespmem:$0x1A900] =	vst v63  }
0x4d: {  	s22 =	simm.s32 $0x280;
	s26 =	simm.s32 $0x15900  }
0x4e: {  	[tilespmem:s26], [sflag:$0x4] =	stream.indirect.gather [hbm4b:s2+s18], $0x80, s22, s18, $0xb8;
	[tilespmem:$0x1A900] =	vst v63  }
0x4f: {  	s4 =	simm.s32 $0x2A8;
	s5 =	simm.s32 $0x16D00  }
0x50: {  	[tilespmem:s5], [sflag:$0x4] =	stream.indirect.gather [hbm4b:s2+s18], $0x80, s4, s18, $0xb8;
	[tilespmem:$0x1A900] =	vst v63  }
0x51: {  	s1 =	rddreg [dreg:$0x4];
	s17 =	simm.s32 $0x2D0;
	s20 =	simm.s32 $0x18100  }
0x52: {  	[tilespmem:s20], [sflag:$0x4] =	stream.indirect.gather [hbm4b:s2+s18], $0x80, s17, s18, $0xb8;
	[tilespmem:$0x1A900] =	vst v63  }
0x53: {  	s22 =	simm.s32 $0x2F8;
	s26 =	simm.s32 $0x19500;
	s20 =	simm.s32 $0x0  }
0x54: {  	[tilespmem:s26], [sflag:$0x4] =	stream.indirect.gather [hbm4b:s2+s18], $0x80, s22, s18, $0xb8;
	[tilespmem:$0x1A900] =	vst v63  }
.LBB2_2:
0x55: {  	_ =	swait.ge [sflag:s30], $0x6400  }
0x56: {  	[sflag:s30] =	ssyncset.done $0x0  }
0x57: {  	s22 =	sadd.s32 s1, s9;
	s4 =	simm.s32 $0x1900;
	[sflag:s30] =	ssyncadd.s32 $0xFFFF9C00  }
0x58: {  	[hbm4b:s22+s3] =	stream.linear.scatter [tilespmem:s4], [sflag:$0x5], $0x1900, $0x38;
	[tilespmem:$0x1A900] =	vst v63  }
0x59: {  	s17 =	simm.s32 $0x3200;
	s26 =	sadd.s32 $0x380, s22  }
0x5a: {  	[hbm4b:s26+s3] =	stream.linear.scatter [tilespmem:s17], [sflag:$0x5], $0x1900, $0x38;
	[tilespmem:$0x1A900] =	vst v63  }
0x5b: {  	p0 =	seq.s32 s20, $0x0;
	s5 =	sadd.s32 $0x700, s22;
	s17 =	simm.s32 $0x4B00  }
0x5c: {  	[hbm4b:s5+s3] =	stream.linear.scatter [tilespmem:s17], [sflag:$0x5], $0x1900, $0x38;
	[tilespmem:$0x1A900] =	vst v63  }
0x5d: {  	s4 =	sadd.s32 s1, s13;
	s26 =	simm.s32 @!p0 $0x8;
	s5 =	simm.s32 $0x6400  }
0x5e: {  	[hbm4b:s4+s3] =	stream.linear.scatter [tilespmem:s5], [sflag:$0x5], $0x1900, $0x38;
	[tilespmem:$0x1A900] =	vst v63  }
0x5f: {  	_ =	swait.ge @!p0 [sflag:s26], $0x6400  }
0x60: {  	[sflag:s26] =	ssyncset.done @!p0 $0x0  }
0x61: {  	[sflag:s26] =	ssyncadd.s32 @!p0 $0xFFFF9C00;
	s26 =	sshra.s32 @!p0 s20, $0x2  }
0x62: {  	s17 =	simm.s32 @!p0 $0x14500;
	s4 =	simm.s32 @!p0 $0x28;
	s5 =	sadd.s32 @!p0 $0x258, s26  }
0x63: {  	[tilespmem:s17], [sflag:$0x4] =	stream.indirect.gather @!p0 [hbm4b:s2+s4], $0x80, s5, s4, $0xb8;
	[tilespmem:$0x1A900] =	vst v63  }
0x64: {  	s5 =	sadd.s32 @!p0 $0x280, s26;
	s17 =	simm.s32 @!p0 $0x15900  }
0x65: {  	[tilespmem:s17], [sflag:$0x4] =	stream.indirect.gather @!p0 [hbm4b:s2+s4], $0x80, s5, s4, $0xb8;
	[tilespmem:$0x1A900] =	vst v63  }
0x66: {  	s5 =	sadd.s32 @!p0 $0x2A8, s26;
	s17 =	simm.s32 @!p0 $0x16D00  }
0x67: {  	[tilespmem:s17], [sflag:$0x4] =	stream.indirect.gather @!p0 [hbm4b:s2+s4], $0x80, s5, s4, $0xb8;
	[tilespmem:$0x1A900] =	vst v63  }
0x68: {  	s5 =	sadd.s32 @!p0 $0x2D0, s26;
	s17 =	simm.s32 @!p0 $0x18100  }
0x69: {  	[tilespmem:s17], [sflag:$0x4] =	stream.indirect.gather @!p0 [hbm4b:s2+s4], $0x80, s5, s4, $0xb8;
	[tilespmem:$0x1A900] =	vst v63  }
0x6a: {  	s5 =	sadd.s32 @!p0 $0x2F8, s26;
	s17 =	simm.s32 @!p0 $0x19500  }
0x6b: {  	[tilespmem:s17], [sflag:$0x4] =	stream.indirect.gather @!p0 [hbm4b:s2+s4], $0x80, s5, s4, $0xb8;
	[tilespmem:$0x1A900] =	vst v63  }
0x6c: {  	_ =	swait.ge [sflag:s24], $0x6400  }
0x6d: {  	[sflag:s24] =	ssyncset.done $0x0  }
0x6e: {  	s26 =	simm.s32 $0x7D00;
	s17 =	sadd.s32 $0xE00, s22;
	[sflag:s24] =	ssyncadd.s32 $0xFFFF9C00  }
0x6f: {  	[hbm4b:s17+s3] =	stream.linear.scatter [tilespmem:s26], [sflag:$0x6], $0x1900, $0x38;
	[tilespmem:$0x1A900] =	vst v63  }
0x70: {  	s17 =	sadd.s32 s1, s12;
	s26 =	simm.s32 $0x9600  }
0x71: {  	[hbm4b:s17+s3] =	stream.linear.scatter [tilespmem:s26], [sflag:$0x6], $0x1900, $0x38;
	[tilespmem:$0x1A900] =	vst v63  }
0x72: {  	p0 =	seq.s32 s20, $0x5780;
	s17 =	sadd.s32 s1, s11;
	s26 =	simm.s32 $0xAF00  }
0x73: {  	[hbm4b:s17+s3] =	stream.linear.scatter [tilespmem:s26], [sflag:$0x6], $0x1900, $0x38;
	[tilespmem:$0x1A900] =	vst v63  }
0x74: {  	s5 =	sadd.s32 s1, s10;
	s4 =	simm.s32 @!p0 $0x5;
	s17 =	simm.s32 $0xC800  }
0x75: {  	[hbm4b:s5+s3] =	stream.linear.scatter [tilespmem:s17], [sflag:$0x6], $0x1900, $0x38;
	[tilespmem:$0x1A900] =	vst v63  }
0x76: {  	_ =	swait.ge @!p0 [sflag:s4], $0x6400  }
0x77: {  	[sflag:s4] =	ssyncset.done @!p0 $0x0  }
0x78: {  	[sflag:s4] =	ssyncadd.s32 @!p0 $0xFFFF9C00;
	s4 =	sshra.s32 @!p0 s20, $0x2  }
0x79: {  	s26 =	simm.s32 @!p0 $0x1900;
	s17 =	simm.s32 @!p0 $0x28;
	s5 =	sadd.s32 @!p0 $0x320, s4  }
0x7a: {  	[tilespmem:s26], [sflag:$0x1] =	stream.indirect.gather @!p0 [hbm4b:s2+s17], $0x80, s5, s17, $0xb8;
	[tilespmem:$0x1A900] =	vst v63  }
0x7b: {  	s5 =	sadd.s32 @!p0 $0x348, s4;
	s26 =	simm.s32 @!p0 $0x2D00  }
0x7c: {  	[tilespmem:s26], [sflag:$0x1] =	stream.indirect.gather @!p0 [hbm4b:s2+s17], $0x80, s5, s17, $0xb8;
	[tilespmem:$0x1A900] =	vst v63  }
0x7d: {  	s5 =	sadd.s32 @!p0 $0x370, s4;
	s26 =	simm.s32 @!p0 $0x4100  }
0x7e: {  	[tilespmem:s26], [sflag:$0x1] =	stream.indirect.gather @!p0 [hbm4b:s2+s17], $0x80, s5, s17, $0xb8;
	[tilespmem:$0x1A900] =	vst v63  }
0x7f: {  	s5 =	sadd.s32 @!p0 $0x398, s4;
	s26 =	simm.s32 @!p0 $0x5500  }
0x80: {  	[tilespmem:s26], [sflag:$0x1] =	stream.indirect.gather @!p0 [hbm4b:s2+s17], $0x80, s5, s17, $0xb8;
	[tilespmem:$0x1A900] =	vst v63  }
0x81: {  	s5 =	sadd.s32 @!p0 $0x3C0, s4;
	s26 =	simm.s32 @!p0 $0x6900  }
0x82: {  	[tilespmem:s26], [sflag:$0x1] =	stream.indirect.gather @!p0 [hbm4b:s2+s17], $0x80, s5, s17, $0xb8;
	[tilespmem:$0x1A900] =	vst v63  }
0x83: {  	_ =	swait.ge [sflag:s6], $0x6400  }
0x84: {  	[sflag:s6] =	ssyncset.done $0x0  }
0x85: {  	s26 =	sadd.s32 $0x1C00, s22;
	[sflag:s6] =	ssyncadd.s32 $0xFFFF9C00  }
0x86: {  	[hbm4b:s26+s3] =	stream.linear.scatter [tilespmem:s25], [sflag:$0x7], $0x1900, $0x38;
	[tilespmem:$0x1A900] =	vst v63  }
0x87: {  	s5 =	sadd.s32 $0x1F80, s22;
	s26 =	simm.s32 $0xFA00  }
0x88: {  	[hbm4b:s5+s3] =	stream.linear.scatter [tilespmem:s26], [sflag:$0x7], $0x1900, $0x38;
	[tilespmem:$0x1A900] =	vst v63  }
0x89: {  	s26 =	sadd.s32 s1, s8  }
0x8a: {  	[hbm4b:s26+s3] =	stream.linear.scatter [tilespmem:s19], [sflag:$0x7], $0x1900, $0x38;
	[tilespmem:$0x1A900] =	vst v63  }
0x8b: {  	s5 =	simm.s32 @!p0 $0x6;
	s26 =	sadd.s32 s1, s7  }
0x8c: {  	[hbm4b:s26+s3] =	stream.linear.scatter [tilespmem:s29], [sflag:$0x7], $0x1900, $0x38;
	[tilespmem:$0x1A900] =	vst v63  }
0x8d: {  	_ =	swait.ge @!p0 [sflag:s5], $0x6400  }
0x8e: {  	[sflag:s5] =	ssyncset.done @!p0 $0x0  }
0x8f: {  	s26 =	simm.s32 @!p0 $0x7D00;
	[sflag:s5] =	ssyncadd.s32 @!p0 $0xFFFF9C00;
	s5 =	sadd.s32 @!p0 $0x3E8, s4  }
0x90: {  	[tilespmem:s26], [sflag:$0x2] =	stream.indirect.gather @!p0 [hbm4b:s2+s17], $0x80, s5, s17, $0xb8;
	[tilespmem:$0x1A900] =	vst v63  }
0x91: {  	s5 =	sadd.s32 @!p0 $0x410, s4;
	s26 =	simm.s32 @!p0 $0x9100  }
0x92: {  	[tilespmem:s26], [sflag:$0x2] =	stream.indirect.gather @!p0 [hbm4b:s2+s17], $0x80, s5, s17, $0xb8;
	[tilespmem:$0x1A900] =	vst v63  }
0x93: {  	s5 =	sadd.s32 @!p0 $0x438, s4;
	s26 =	simm.s32 @!p0 $0xA500  }
0x94: {  	[tilespmem:s26], [sflag:$0x2] =	stream.indirect.gather @!p0 [hbm4b:s2+s17], $0x80, s5, s17, $0xb8;
	[tilespmem:$0x1A900] =	vst v63  }
0x95: {  	s5 =	sadd.s32 @!p0 $0x460, s4;
	s26 =	simm.s32 @!p0 $0xB900  }
0x96: {  	[tilespmem:s26], [sflag:$0x2] =	stream.indirect.gather @!p0 [hbm4b:s2+s17], $0x80, s5, s17, $0xb8;
	[tilespmem:$0x1A900] =	vst v63  }
0x97: {  	s4 =	sadd.s32 @!p0 $0x488, s4;
	s5 =	simm.s32 @!p0 $0xCD00  }
0x98: {  	[tilespmem:s5], [sflag:$0x2] =	stream.indirect.gather @!p0 [hbm4b:s2+s17], $0x80, s4, s17, $0xb8;
	[tilespmem:$0x1A900] =	vst v63  }
0x99: {  	_ =	swait.ge [sflag:s28], $0x6400  }
0x9a: {  	[sflag:s28] =	ssyncset.done $0x0  }
0x9b: {  	s22 =	sadd.s32 $0x2A00, s22;
	s26 =	simm.s32 $0x14500;
	[sflag:s28] =	ssyncadd.s32 $0xFFFF9C00  }
0x9c: {  	[hbm4b:s22+s3] =	stream.linear.scatter [tilespmem:s26], [sflag:$0x8], $0x1900, $0x38;
	[tilespmem:$0x1A900] =	vst v63  }
0x9d: {  	s17 =	sadd.s32 s1, s16  }
0x9e: {  	[hbm4b:s17+s3] =	stream.linear.scatter [tilespmem:s31], [sflag:$0x8], $0x1900, $0x38;
	[tilespmem:$0x1A900] =	vst v63  }
.Ltmp2:
0x9f: {  	_ = 	snop;
	(pc) =	sbr.rel @p0 .LBB2_4-.Ltmp2, $4  }
0xa0: {  	s22 =	sadd.s32 s1, s15  }
0xa1: {  	[hbm4b:s22+s3] =	stream.linear.scatter [tilespmem:s0], [sflag:$0x8], $0x1900, $0x38;
	[tilespmem:$0x1A900] =	vst v63  }
0xa2: {  	s26 =	sadd.s32 s1, s14  }
0xa3: {  	[hbm4b:s26+s3] =	stream.linear.scatter [tilespmem:s21], [sflag:$0x8], $0x1900, $0x38;
	[tilespmem:$0x1A900] =	vst v63  }
0xa4: {  	_ =	swait.ge [sflag:s23], $0x6400  }
0xa5: {  	s4 =	sshra.s32 s20, $0x2;
	[sflag:s23] =	ssyncset.done $0x0  }
0xa6: {  	s5 =	sadd.s32 $0x4B0, s4;
	[sflag:s23] =	ssyncadd.s32 $0xFFFF9C00  }
0xa7: {  	[tilespmem:s25], [sflag:$0x3] =	stream.indirect.gather [hbm4b:s2+s18], $0x80, s5, s18, $0xb8;
	[tilespmem:$0x1A900] =	vst v63  }
0xa8: {  	s17 =	simm.s32 $0xF500;
	s26 =	sadd.s32 $0x4D8, s4  }
0xa9: {  	[tilespmem:s17], [sflag:$0x3] =	stream.indirect.gather [hbm4b:s2+s18], $0x80, s26, s18, $0xb8;
	[tilespmem:$0x1A900] =	vst v63  }
0xaa: {  	s22 =	sadd.s32 $0x500, s4;
	s26 =	simm.s32 $0x10900  }
0xab: {  	[tilespmem:s26], [sflag:$0x3] =	stream.indirect.gather [hbm4b:s2+s18], $0x80, s22, s18, $0xb8;
	[tilespmem:$0x1A900] =	vst v63  }
.Ltmp3:
0xac: {  	_ = 	snop;
	(pc) =	sbr.rel .LBB2_2-.Ltmp3, $4  }
0xad: {  	s20 =	sadd.s32 $0xC80, s20;
	s17 =	sadd.s32 $0x528, s4;
	s22 =	simm.s32 $0x11D00  }
0xae: {  	[tilespmem:s22], [sflag:$0x3] =	stream.indirect.gather [hbm4b:s2+s18], $0x80, s17, s18, $0xb8;
	[tilespmem:$0x1A900] =	vst v63  }
0xaf: {  	s1 =	sadd.s32 $0x3800, s1;
	s4 =	sadd.s32 $0x550, s4;
	s26 =	simm.s32 $0x13100  }
0xb0: {  	[tilespmem:s26], [sflag:$0x3] =	stream.indirect.gather [hbm4b:s2+s18], $0x80, s4, s18, $0xb8;
	[tilespmem:$0x1A900] =	vst v63  }
.LBB2_5:
0xb1: {  	_ =	sfence.sel $0x180000  }
0xb2: {  	[bflag:$0x0] =	sbarrier.arrive $0xFFFF  }
0xb3: {  	_ =	strace $0x90000047  }
0xb4: {  	s0 =	stileid.u32;
	[bflag:$0x2] =	sbarrier.arrive $0xFFFF  }
0xb5: {  	p0 =	sne.s32 s0, $0x0;
	s0 =	rddreg [dreg:$0x3]  }
0xb6: {  	s0 =	sadd.s32 @!p0 $0x100000, s0  }
0xb7: {  	[sflag:s0] =	ssyncadd.tile.s32 @!p0 $0x1;
	_ =	shalt  }
.Lfunc_end2:
_tile_overlayer_lowered:
.L_overlay_start_2:
0xb8: {  	(tag) =	ssettag $0x2  }
0xb9: {  	s0 =	rddreg [dreg:$0x0];
	s2 =	stileid.u32  }
0xba: {  	s1 =	rddreg [dreg:$0x1];
	p0 =	sne.s32 s2, $0x0  }
0xbb: {  	s3 =	rddreg [dreg:$0x2];
	[bflag:$0x3] =	sbarrier.arrive $0xFFFF;
	s2 =	simm.s32 @!p0 $0x1C09  }
0xbc: {  	[timem:s3], [sflag:s2] =	dma.local @!p0 [hbm:s0], s1  }
0xbd: {  	s0 =	simm.s32 @!p0 $0x9  }
0xbe: {  	_ =	swait.ge @!p0 [sflag:s0], s1  }
0xbf: {  	s1 =	ssub.s32 @!p0 $0x0, s1;
	[sflag:s0] =	ssyncset.done @!p0 $0x0  }
0xc0: {  	[sflag:s0] =	ssyncadd.s32 @!p0 s1  }
0xc1: {  	[bflag:$0x3] =	sbarrier.arrive $0xFFFF  }
0xc2: {  	_ =	shalt  }

</sc_bundles>
